<compile_context>
chip_gen: v7x
topology: tpu7x:2x2x1
jax: 0.10.2.dev20260603
libtpu: 0.0.44.dev20260713+nightly
codegen_flags: <defaults>
</compile_context>

<pallas_src>
import functools

import jax
import jax.numpy as jnp
from jax import lax
from jax.experimental import pallas as pl
from jax.experimental.pallas import tpu as pltpu
from jax.experimental.pallas import tpu_sc as plsc

B = 4
S = 8192
D = 1024
LANES = 16
CHUNK = 1024
CPB = S // CHUNK
VPC = CHUNK // LANES


def _last_token_pool_sc(hs_hbm, mask_hbm, out_hbm, mask_v, row_v, found_ref,
                        sem):
    c = lax.axis_index("c")
    s = lax.axis_index("s")

    @pl.when(s < 2)
    def _work():
        b = c * 2 + s
        row_base = b * S

        spec = pltpu.async_copy(
            hs_hbm.at[pl.ds(row_base + (S - 1), 1)], row_v, sem)

        iota = lax.iota(jnp.int32, LANES)
        neg1 = jnp.full((LANES,), -1, jnp.int32)

        pltpu.sync_copy(mask_hbm.at[pl.ds(row_base + S - LANES, LANES)],
                        mask_v.at[pl.ds(0, LANES)])
        tail = mask_v[pl.ds(0, LANES)]
        tail_lane = jnp.max(jnp.where(tail == 1, iota, neg1))
        found_ref[0] = jnp.where(tail_lane >= 0, S - LANES + tail_lane, -1)

        for chunk in range(CPB - 1, -1, -1):
            @pl.when(found_ref[0] < 0)
            def _scan_chunk(chunk=chunk):
                pltpu.sync_copy(
                    mask_hbm.at[pl.ds(row_base + chunk * CHUNK, CHUNK)],
                    mask_v)

                def cond(carry):
                    found, i = carry
                    return jnp.logical_and(found < 0, i >= 0)

                def step(carry):
                    _, i = carry
                    m = mask_v[pl.ds(i * LANES, LANES)]
                    lane = jnp.max(jnp.where(m == 1, iota, neg1))
                    found = jnp.where(
                        lane >= 0, chunk * CHUNK + i * LANES + lane, -1)
                    return found, i - 1

                found, _ = lax.while_loop(
                    cond, step, (jnp.int32(-1), jnp.int32(VPC - 1)))
                found_ref[0] = found

        last = jnp.maximum(found_ref[0], 0)
        spec.wait()

        @pl.when(last != S - 1)
        def _refetch():
            pltpu.sync_copy(hs_hbm.at[pl.ds(row_base + last, 1)], row_v)

        pltpu.sync_copy(row_v, out_hbm.at[pl.ds(b, 1)])


@jax.jit
def kernel(hidden_states, attention_mask):
    hs2 = hidden_states.reshape(B * S, D)
    mask1 = attention_mask.astype(jnp.int32).reshape(B * S)
    mesh = plsc.VectorSubcoreMesh(core_axis_name="c", subcore_axis_name="s")
    run = functools.partial(
        pl.kernel,
        mesh=mesh,
        out_type=jax.ShapeDtypeStruct((B, D), jnp.float32),
        compiler_params=pltpu.CompilerParams(needs_layout_passes=False),
        scratch_types=[
            pltpu.VMEM((CHUNK,), jnp.int32),
            pltpu.VMEM((1, D), jnp.float32),
            pltpu.SMEM((1,), jnp.int32),
            pltpu.SemaphoreType.DMA,
        ],
    )(_last_token_pool_sc)
    return run(hs2, mask1)

# --- scband reference (transcript-rebuilt; emitter-appended) ---
"""Pipeline reference for scband-last-token-pool-25297357374016 (READ-ONLY COPY).

The authoritative reference and input builder live on the scoring server;
editing this copy changes nothing except your own understanding.
"""

import jax, jax.numpy as jnp
import numpy as np


def setup_inputs(seed: int = 0) -> dict:
    key = jax.random.key(seed)
    k1, _ = jax.random.split(key)
    hidden_states = jax.random.normal(k1, (4, 8192, 1024), dtype=jnp.float32)
    attention_mask = jnp.ones((4, 8192), dtype=jnp.int64)
    return {"hidden_states": hidden_states, "attention_mask": attention_mask}


def reference(hidden_states, attention_mask):
    # Faithful translation of LastTokenPool.forward
    if attention_mask is not None:
        bs, dim = hidden_states.shape[0], hidden_states.shape[-1]
        mask = attention_mask == 1
        seq = hidden_states.shape[1]
        positions = jnp.where(mask, jnp.arange(seq), -1)
        last_idx = jnp.max(positions, axis=1)
        gathered = jnp.take_along_axis(
            hidden_states, last_idx[:, None, None], axis=1
        )
        return gathered[:, 0]
    return hidden_states[:, -1]

if __name__ == "__main__":
    import jax
    _d = setup_inputs()
    print(jax.jit(kernel)(*tuple(_d.values())))

</pallas_src>

<mosaic_0001>
#map = affine_map<(d0, d1) -> (0, 0)>
#map1 = affine_map<(d0, d1) -> (0)>
module attributes {stable_mosaic.version = 14 : i64} {
  func.func @_last_token_pool_sc(%arg0: i32, %arg1: i32, %arg2: memref<32768x1024xf32, #tpu.memory_space<hbm>>, %arg3: memref<32768xi32, #tpu.memory_space<hbm>>, %arg4: memref<4x1024xf32, #tpu.memory_space<hbm>>, %arg5: memref<1024xi32, #tpu.memory_space<vmem>>, %arg6: memref<1x1024xf32, #tpu.memory_space<vmem>>, %arg7: memref<1xi32, #tpu.memory_space<smem>>, %arg8: memref<!tpu.dma_semaphore, #tpu.memory_space<semaphore_mem>>) attributes {dimension_semantics = [#tpu.dimension_semantics<core_parallel>, #tpu.dimension_semantics<subcore_parallel>], iteration_bounds = array<i64: 2, 16>, scalar_prefetch = 0 : i64, scratch_operands = 4 : i64, tpu.core_type = #tpu.core_type<sc_vector_subcore>, window_params = [{transform_indices = #map}, {transform_indices = #map1}, {transform_indices = #map}]} {
    %lt3A = arith.constant 2 : i32
    %lt3A_0 = arith.cmpi slt, %arg1, %lt3A : i32
    %convert_element_type3A = arith.extui %lt3A_0 : i1 to i32
    %cond3A = arith.constant 0 : i32
    %cond3A_1 = arith.cmpi ne, %convert_element_type3A, %cond3A : i32
    scf.if %cond3A_1 {
      %mul3A = arith.constant 2 : i32
      %mul3A_2 = arith.muli %arg0, %mul3A : i32
      %add3A = arith.addi %mul3A_2, %arg1 : i32
      %mul3A_3 = arith.constant 8192 : i32
      %mul3A_4 = arith.muli %add3A, %mul3A_3 : i32
      %add3A_5 = arith.constant 8191 : i32
      %add3A_6 = arith.addi %mul3A_4, %add3A_5 : i32
      %dma_start3A = arith.constant 0 : i32
      %dma_start3A_7 = tpu.memref_slice %arg2[%add3A_6, %dma_start3A] : memref<32768x1024xf32, #tpu.memory_space<hbm>> -> memref<1x1024xf32, #tpu.memory_space<hbm>>
      %dma_start3A_8 = arith.constant 0 : i32
      %dma_start3A_9 = tpu.memref_slice %arg2[%add3A_6, %dma_start3A_8] : memref<32768x1024xf32, #tpu.memory_space<hbm>> -> memref<1x1024xf32, #tpu.memory_space<hbm>>
      tpu.enqueue_dma source(%dma_start3A_9 : memref<1x1024xf32, #tpu.memory_space<hbm>>) target(%arg6 : memref<1x1024xf32, #tpu.memory_space<vmem>>) target_semaphore(%arg8 : memref<!tpu.dma_semaphore, #tpu.memory_space<semaphore_mem>>)
      %iota3A = tpu.iota {dimensions = array<i32: 0>} : vector<16xi32>
      %broadcast_in_dim3A = arith.constant -1 : i32
      %broadcast_in_dim3A_10 = vector.broadcast %broadcast_in_dim3A : i32 to vector<16xi32>
      %add3A_11 = arith.constant 8192 : i32
      %add3A_12 = arith.addi %mul3A_4, %add3A_11 : i32
      %sub3A = arith.constant 16 : i32
      %sub3A_13 = arith.subi %add3A_12, %sub3A : i32
      "tpu.region"() ({
        %run_scoped3A = tpu.sem_alloc : memref<!tpu.dma_semaphore, #tpu.memory_space<semaphore_mem>>
        %dma_start3A_105 = arith.constant 0 : i32
        %dma_start3A_106 = tpu.memref_slice %arg5[%dma_start3A_105] : memref<1024xi32, #tpu.memory_space<vmem>> -> memref<16xi32, #tpu.memory_space<vmem>>
        %dma_start3A_107 = tpu.memref_slice %arg3[%sub3A_13] : memref<32768xi32, #tpu.memory_space<hbm>> -> memref<16xi32, #tpu.memory_space<hbm>>
        %dma_start3A_108 = arith.constant 0 : i32
        %dma_start3A_109 = tpu.memref_slice %arg5[%dma_start3A_108] : memref<1024xi32, #tpu.memory_space<vmem>> -> memref<16xi32, #tpu.memory_space<vmem>>
        %dma_start3A_110 = tpu.memref_slice %arg3[%sub3A_13] : memref<32768xi32, #tpu.memory_space<hbm>> -> memref<16xi32, #tpu.memory_space<hbm>>
        tpu.enqueue_dma source(%dma_start3A_110 : memref<16xi32, #tpu.memory_space<hbm>>) target(%dma_start3A_109 : memref<16xi32, #tpu.memory_space<vmem>>) target_semaphore(%run_scoped3A : memref<!tpu.dma_semaphore, #tpu.memory_space<semaphore_mem>>)
        %dma_wait3A_111 = arith.constant 0 : i32
        %dma_wait3A_112 = tpu.memref_slice %arg5[%dma_wait3A_111] : memref<1024xi32, #tpu.memory_space<vmem>> -> memref<16xi32, #tpu.memory_space<vmem>>
        %dma_wait3A_113 = tpu.memref_slice %arg3[%sub3A_13] : memref<32768xi32, #tpu.memory_space<hbm>> -> memref<16xi32, #tpu.memory_space<hbm>>
        %dma_wait3A_114 = arith.constant 0 : i32
        %dma_wait3A_115 = tpu.memref_slice %arg5[%dma_wait3A_114] : memref<1024xi32, #tpu.memory_space<vmem>> -> memref<16xi32, #tpu.memory_space<vmem>>
        %dma_wait3A_116 = tpu.memref_slice %arg3[%sub3A_13] : memref<32768xi32, #tpu.memory_space<hbm>> -> memref<16xi32, #tpu.memory_space<hbm>>
        tpu.wait_dma2 semaphore(%run_scoped3A : memref<!tpu.dma_semaphore, #tpu.memory_space<semaphore_mem>>) src(%dma_wait3A_116 : memref<16xi32, #tpu.memory_space<hbm>>) dst(%dma_wait3A_115 : memref<16xi32, #tpu.memory_space<vmem>>)
        tpu.yield
      }) : () -> ()
      %get3A = arith.constant 0 : index
      %get3A_14 = tpu.vector_load %arg5[%get3A] {strides = array<i32>} : memref<1024xi32, #tpu.memory_space<vmem>>, vector<16xi32>,
      %eq3A = arith.constant 1 : i32
      %eq3A_15 = vector.broadcast %eq3A : i32 to vector<16xi32>
      %eq3A_16 = arith.cmpi eq, %get3A_14, %eq3A_15 : vector<16xi32>
      %select_n3A = arith.select %eq3A_16, %iota3A, %broadcast_in_dim3A_10 : vector<16xi1>, vector<16xi32>
      %reduce_max3A = arith.constant true
      %reduce_max3A_17 = vector.broadcast %reduce_max3A : i1 to vector<16xi1>
      %reduce_max3A_18 = arith.constant -2147483648 : i32
      %reduce_max3A_19 = vector.broadcast %reduce_max3A_18 : i32 to vector<16xi32>
      %reduce_max3A_20 = arith.xori %select_n3A, %reduce_max3A_19 : vector<16xi32>
      %reduce_max3A_21 = tpu.scan <max>, %reduce_max3A_20 masked %reduce_max3A_17 : vector<16xi32>, vector<16xi1> -> vector<16xi32>
      %reduce_max3A_22 = arith.xori %reduce_max3A_21, %reduce_max3A_19 : vector<16xi32>
      %reduce_max3A_23 = vector.extract %reduce_max3A_22[15] : i32 from vector<16xi32>
      %ge3A = arith.constant 0 : i32
      %ge3A_24 = arith.cmpi sge, %reduce_max3A_23, %ge3A : i32
      %add3A_25 = arith.constant 8176 : i32
      %add3A_26 = arith.addi %add3A_25, %reduce_max3A_23 : i32
      %jit3A = arith.constant -1 : i32
      %select_n3A_27 = arith.select %ge3A_24, %add3A_26, %jit3A : i32
      %swap3A = arith.constant 0 : i32
      %swap3A_28 = arith.index_cast %swap3A : i32 to index
      %swap3A_29 = memref.load %arg7[%swap3A_28] : memref<1xi32, #tpu.memory_space<smem>>
      memref.store %select_n3A_27, %arg7[%swap3A_28] : memref<1xi32, #tpu.memory_space<smem>>
      %get3A_30 = arith.constant 0 : i32
      %get3A_31 = arith.index_cast %get3A_30 : i32 to index
      %get3A_32 = memref.load %arg7[%get3A_31] : memref<1xi32, #tpu.memory_space<smem>>
      %lt3A_33 = arith.constant 0 : i32
      %lt3A_34 = arith.cmpi slt, %get3A_32, %lt3A_33 : i32
      %convert_element_type3A_35 = arith.extui %lt3A_34 : i1 to i32
      %cond3A_36 = arith.constant 0 : i32
      %cond3A_37 = arith.cmpi ne, %convert_element_type3A_35, %cond3A_36 : i32
      scf.if %cond3A_37 {
        %add3A_105 = arith.constant 7168 : i32
        %add3A_106 = arith.addi %mul3A_4, %add3A_105 : i32
        "tpu.region"() ({
          %run_scoped3A = tpu.sem_alloc : memref<!tpu.dma_semaphore, #tpu.memory_space<semaphore_mem>>
          %dma_start3A_112 = tpu.memref_slice %arg3[%add3A_106] : memref<32768xi32, #tpu.memory_space<hbm>> -> memref<1024xi32, #tpu.memory_space<hbm>>
          %dma_start3A_113 = tpu.memref_slice %arg3[%add3A_106] : memref<32768xi32, #tpu.memory_space<hbm>> -> memref<1024xi32, #tpu.memory_space<hbm>>
          tpu.enqueue_dma source(%dma_start3A_113 : memref<1024xi32, #tpu.memory_space<hbm>>) target(%arg5 : memref<1024xi32, #tpu.memory_space<vmem>>) target_semaphore(%run_scoped3A : memref<!tpu.dma_semaphore, #tpu.memory_space<semaphore_mem>>)
          %dma_wait3A_114 = tpu.memref_slice %arg3[%add3A_106] : memref<32768xi32, #tpu.memory_space<hbm>> -> memref<1024xi32, #tpu.memory_space<hbm>>
          %dma_wait3A_115 = tpu.memref_slice %arg3[%add3A_106] : memref<32768xi32, #tpu.memory_space<hbm>> -> memref<1024xi32, #tpu.memory_space<hbm>>
          tpu.wait_dma2 semaphore(%run_scoped3A : memref<!tpu.dma_semaphore, #tpu.memory_space<semaphore_mem>>) src(%dma_wait3A_115 : memref<1024xi32, #tpu.memory_space<hbm>>) dst(%arg5 : memref<1024xi32, #tpu.memory_space<vmem>>)
          tpu.yield
        }) : () -> ()
        %while3A = arith.constant -1 : i32
        %while3A_107 = arith.constant 63 : i32
        %while3A_108:2 = scf.while (%while3A_112 = %while3A, %while3A_113 = %while3A_107) : (i32, i32) -> (i32, i32) {
          %lt3A_114 = arith.constant 0 : i32
          %lt3A_115 = arith.cmpi slt, %while3A_112, %lt3A_114 : i32
          %ge3A_116 = arith.constant 0 : i32
          %ge3A_117 = arith.cmpi sge, %while3A_113, %ge3A_116 : i32
          %and3A = arith.andi %lt3A_115, %ge3A_117 : i1
          scf.condition(%and3A) %while3A_112, %while3A_113 : i32, i32
        } do {
        ^bb0(%while3A_112: i32, %while3A_113: i32):
          %mul3A_114 = arith.constant 16 : i32
          %mul3A_115 = arith.muli %while3A_113, %mul3A_114 : i32
          %get3A_116 = arith.index_cast %mul3A_115 : i32 to index
          %get3A_117 = tpu.vector_load %arg5[%get3A_116] {strides = array<i32>} : memref<1024xi32, #tpu.memory_space<vmem>>, vector<16xi32>,
          %eq3A_118 = arith.constant 1 : i32
          %eq3A_119 = vector.broadcast %eq3A_118 : i32 to vector<16xi32>
          %eq3A_120 = arith.cmpi eq, %get3A_117, %eq3A_119 : vector<16xi32>
          %select_n3A_121 = arith.select %eq3A_120, %iota3A, %broadcast_in_dim3A_10 : vector<16xi1>, vector<16xi32>
          %reduce_max3A_122 = arith.constant true
          %reduce_max3A_123 = vector.broadcast %reduce_max3A_122 : i1 to vector<16xi1>
          %reduce_max3A_124 = arith.constant -2147483648 : i32
          %reduce_max3A_125 = vector.broadcast %reduce_max3A_124 : i32 to vector<16xi32>
          %reduce_max3A_126 = arith.xori %select_n3A_121, %reduce_max3A_125 : vector<16xi32>
          %reduce_max3A_127 = tpu.scan <max>, %reduce_max3A_126 masked %reduce_max3A_123 : vector<16xi32>, vector<16xi1> -> vector<16xi32>
          %reduce_max3A_128 = arith.xori %reduce_max3A_127, %reduce_max3A_125 : vector<16xi32>
          %reduce_max3A_129 = vector.extract %reduce_max3A_128[15] : i32 from vector<16xi32>
          %ge3A_130 = arith.constant 0 : i32
          %ge3A_131 = arith.cmpi sge, %reduce_max3A_129, %ge3A_130 : i32
          %mul3A_132 = arith.constant 16 : i32
          %mul3A_133 = arith.muli %while3A_113, %mul3A_132 : i32
          %add3A_134 = arith.constant 7168 : i32
          %add3A_135 = arith.addi %add3A_134, %mul3A_133 : i32
          %add3A_136 = arith.addi %add3A_135, %reduce_max3A_129 : i32
          %jit3A_137 = arith.constant -1 : i32
          %select_n3A_138 = arith.select %ge3A_131, %add3A_136, %jit3A_137 : i32
          %sub3A_139 = arith.constant 1 : i32
          %sub3A_140 = arith.subi %while3A_113, %sub3A_139 : i32
          scf.yield %select_n3A_138, %sub3A_140 : i32, i32
        }
        %swap3A_109 = arith.constant 0 : i32
        %swap3A_110 = arith.index_cast %swap3A_109 : i32 to index
        %swap3A_111 = memref.load %arg7[%swap3A_110] : memref<1xi32, #tpu.memory_space<smem>>
        memref.store %while3A_108#0, %arg7[%swap3A_110] : memref<1xi32, #tpu.memory_space<smem>>
      } else {
      }
      %get3A_38 = arith.constant 0 : i32
      %get3A_39 = arith.index_cast %get3A_38 : i32 to index
      %get3A_40 = memref.load %arg7[%get3A_39] : memref<1xi32, #tpu.memory_space<smem>>
      %lt3A_41 = arith.constant 0 : i32
      %lt3A_42 = arith.cmpi slt, %get3A_40, %lt3A_41 : i32
      %convert_element_type3A_43 = arith.extui %lt3A_42 : i1 to i32
      %cond3A_44 = arith.constant 0 : i32
      %cond3A_45 = arith.cmpi ne, %convert_element_type3A_43, %cond3A_44 : i32
      scf.if %cond3A_45 {
        %add3A_105 = arith.constant 6144 : i32
        %add3A_106 = arith.addi %mul3A_4, %add3A_105 : i32
        "tpu.region"() ({
          %run_scoped3A = tpu.sem_alloc : memref<!tpu.dma_semaphore, #tpu.memory_space<semaphore_mem>>
          %dma_start3A_112 = tpu.memref_slice %arg3[%add3A_106] : memref<32768xi32, #tpu.memory_space<hbm>> -> memref<1024xi32, #tpu.memory_space<hbm>>
          %dma_start3A_113 = tpu.memref_slice %arg3[%add3A_106] : memref<32768xi32, #tpu.memory_space<hbm>> -> memref<1024xi32, #tpu.memory_space<hbm>>
          tpu.enqueue_dma source(%dma_start3A_113 : memref<1024xi32, #tpu.memory_space<hbm>>) target(%arg5 : memref<1024xi32, #tpu.memory_space<vmem>>) target_semaphore(%run_scoped3A : memref<!tpu.dma_semaphore, #tpu.memory_space<semaphore_mem>>)
          %dma_wait3A_114 = tpu.memref_slice %arg3[%add3A_106] : memref<32768xi32, #tpu.memory_space<hbm>> -> memref<1024xi32, #tpu.memory_space<hbm>>
          %dma_wait3A_115 = tpu.memref_slice %arg3[%add3A_106] : memref<32768xi32, #tpu.memory_space<hbm>> -> memref<1024xi32, #tpu.memory_space<hbm>>
          tpu.wait_dma2 semaphore(%run_scoped3A : memref<!tpu.dma_semaphore, #tpu.memory_space<semaphore_mem>>) src(%dma_wait3A_115 : memref<1024xi32, #tpu.memory_space<hbm>>) dst(%arg5 : memref<1024xi32, #tpu.memory_space<vmem>>)
          tpu.yield
        }) : () -> ()
        %while3A = arith.constant -1 : i32
        %while3A_107 = arith.constant 63 : i32
        %while3A_108:2 = scf.while (%while3A_112 = %while3A, %while3A_113 = %while3A_107) : (i32, i32) -> (i32, i32) {
          %lt3A_114 = arith.constant 0 : i32
          %lt3A_115 = arith.cmpi slt, %while3A_112, %lt3A_114 : i32
          %ge3A_116 = arith.constant 0 : i32
          %ge3A_117 = arith.cmpi sge, %while3A_113, %ge3A_116 : i32
          %and3A = arith.andi %lt3A_115, %ge3A_117 : i1
          scf.condition(%and3A) %while3A_112, %while3A_113 : i32, i32
        } do {
        ^bb0(%while3A_112: i32, %while3A_113: i32):
          %mul3A_114 = arith.constant 16 : i32
          %mul3A_115 = arith.muli %while3A_113, %mul3A_114 : i32
          %get3A_116 = arith.index_cast %mul3A_115 : i32 to index
          %get3A_117 = tpu.vector_load %arg5[%get3A_116] {strides = array<i32>} : memref<1024xi32, #tpu.memory_space<vmem>>, vector<16xi32>,
          %eq3A_118 = arith.constant 1 : i32
          %eq3A_119 = vector.broadcast %eq3A_118 : i32 to vector<16xi32>
          %eq3A_120 = arith.cmpi eq, %get3A_117, %eq3A_119 : vector<16xi32>
          %select_n3A_121 = arith.select %eq3A_120, %iota3A, %broadcast_in_dim3A_10 : vector<16xi1>, vector<16xi32>
          %reduce_max3A_122 = arith.constant true
          %reduce_max3A_123 = vector.broadcast %reduce_max3A_122 : i1 to vector<16xi1>
          %reduce_max3A_124 = arith.constant -2147483648 : i32
          %reduce_max3A_125 = vector.broadcast %reduce_max3A_124 : i32 to vector<16xi32>
          %reduce_max3A_126 = arith.xori %select_n3A_121, %reduce_max3A_125 : vector<16xi32>
          %reduce_max3A_127 = tpu.scan <max>, %reduce_max3A_126 masked %reduce_max3A_123 : vector<16xi32>, vector<16xi1> -> vector<16xi32>
          %reduce_max3A_128 = arith.xori %reduce_max3A_127, %reduce_max3A_125 : vector<16xi32>
          %reduce_max3A_129 = vector.extract %reduce_max3A_128[15] : i32 from vector<16xi32>
          %ge3A_130 = arith.constant 0 : i32
          %ge3A_131 = arith.cmpi sge, %reduce_max3A_129, %ge3A_130 : i32
          %mul3A_132 = arith.constant 16 : i32
          %mul3A_133 = arith.muli %while3A_113, %mul3A_132 : i32
          %add3A_134 = arith.constant 6144 : i32
          %add3A_135 = arith.addi %add3A_134, %mul3A_133 : i32
          %add3A_136 = arith.addi %add3A_135, %reduce_max3A_129 : i32
          %jit3A_137 = arith.constant -1 : i32
          %select_n3A_138 = arith.select %ge3A_131, %add3A_136, %jit3A_137 : i32
          %sub3A_139 = arith.constant 1 : i32
          %sub3A_140 = arith.subi %while3A_113, %sub3A_139 : i32
          scf.yield %select_n3A_138, %sub3A_140 : i32, i32
        }
        %swap3A_109 = arith.constant 0 : i32
        %swap3A_110 = arith.index_cast %swap3A_109 : i32 to index
        %swap3A_111 = memref.load %arg7[%swap3A_110] : memref<1xi32, #tpu.memory_space<smem>>
        memref.store %while3A_108#0, %arg7[%swap3A_110] : memref<1xi32, #tpu.memory_space<smem>>
      } else {
      }
      %get3A_46 = arith.constant 0 : i32
      %get3A_47 = arith.index_cast %get3A_46 : i32 to index
      %get3A_48 = memref.load %arg7[%get3A_47] : memref<1xi32, #tpu.memory_space<smem>>
      %lt3A_49 = arith.constant 0 : i32
      %lt3A_50 = arith.cmpi slt, %get3A_48, %lt3A_49 : i32
      %convert_element_type3A_51 = arith.extui %lt3A_50 : i1 to i32
      %cond3A_52 = arith.constant 0 : i32
      %cond3A_53 = arith.cmpi ne, %convert_element_type3A_51, %cond3A_52 : i32
      scf.if %cond3A_53 {
        %add3A_105 = arith.constant 5120 : i32
        %add3A_106 = arith.addi %mul3A_4, %add3A_105 : i32
        "tpu.region"() ({
          %run_scoped3A = tpu.sem_alloc : memref<!tpu.dma_semaphore, #tpu.memory_space<semaphore_mem>>
          %dma_start3A_112 = tpu.memref_slice %arg3[%add3A_106] : memref<32768xi32, #tpu.memory_space<hbm>> -> memref<1024xi32, #tpu.memory_space<hbm>>
          %dma_start3A_113 = tpu.memref_slice %arg3[%add3A_106] : memref<32768xi32, #tpu.memory_space<hbm>> -> memref<1024xi32, #tpu.memory_space<hbm>>
          tpu.enqueue_dma source(%dma_start3A_113 : memref<1024xi32, #tpu.memory_space<hbm>>) target(%arg5 : memref<1024xi32, #tpu.memory_space<vmem>>) target_semaphore(%run_scoped3A : memref<!tpu.dma_semaphore, #tpu.memory_space<semaphore_mem>>)
          %dma_wait3A_114 = tpu.memref_slice %arg3[%add3A_106] : memref<32768xi32, #tpu.memory_space<hbm>> -> memref<1024xi32, #tpu.memory_space<hbm>>
          %dma_wait3A_115 = tpu.memref_slice %arg3[%add3A_106] : memref<32768xi32, #tpu.memory_space<hbm>> -> memref<1024xi32, #tpu.memory_space<hbm>>
          tpu.wait_dma2 semaphore(%run_scoped3A : memref<!tpu.dma_semaphore, #tpu.memory_space<semaphore_mem>>) src(%dma_wait3A_115 : memref<1024xi32, #tpu.memory_space<hbm>>) dst(%arg5 : memref<1024xi32, #tpu.memory_space<vmem>>)
          tpu.yield
        }) : () -> ()
        %while3A = arith.constant -1 : i32
        %while3A_107 = arith.constant 63 : i32
        %while3A_108:2 = scf.while (%while3A_112 = %while3A, %while3A_113 = %while3A_107) : (i32, i32) -> (i32, i32) {
          %lt3A_114 = arith.constant 0 : i32
          %lt3A_115 = arith.cmpi slt, %while3A_112, %lt3A_114 : i32
          %ge3A_116 = arith.constant 0 : i32
          %ge3A_117 = arith.cmpi sge, %while3A_113, %ge3A_116 : i32
          %and3A = arith.andi %lt3A_115, %ge3A_117 : i1
          scf.condition(%and3A) %while3A_112, %while3A_113 : i32, i32
        } do {
        ^bb0(%while3A_112: i32, %while3A_113: i32):
          %mul3A_114 = arith.constant 16 : i32
          %mul3A_115 = arith.muli %while3A_113, %mul3A_114 : i32
          %get3A_116 = arith.index_cast %mul3A_115 : i32 to index
          %get3A_117 = tpu.vector_load %arg5[%get3A_116] {strides = array<i32>} : memref<1024xi32, #tpu.memory_space<vmem>>, vector<16xi32>,
          %eq3A_118 = arith.constant 1 : i32
          %eq3A_119 = vector.broadcast %eq3A_118 : i32 to vector<16xi32>
          %eq3A_120 = arith.cmpi eq, %get3A_117, %eq3A_119 : vector<16xi32>
          %select_n3A_121 = arith.select %eq3A_120, %iota3A, %broadcast_in_dim3A_10 : vector<16xi1>, vector<16xi32>
          %reduce_max3A_122 = arith.constant true
          %reduce_max3A_123 = vector.broadcast %reduce_max3A_122 : i1 to vector<16xi1>
          %reduce_max3A_124 = arith.constant -2147483648 : i32
          %reduce_max3A_125 = vector.broadcast %reduce_max3A_124 : i32 to vector<16xi32>
          %reduce_max3A_126 = arith.xori %select_n3A_121, %reduce_max3A_125 : vector<16xi32>
          %reduce_max3A_127 = tpu.scan <max>, %reduce_max3A_126 masked %reduce_max3A_123 : vector<16xi32>, vector<16xi1> -> vector<16xi32>
          %reduce_max3A_128 = arith.xori %reduce_max3A_127, %reduce_max3A_125 : vector<16xi32>
          %reduce_max3A_129 = vector.extract %reduce_max3A_128[15] : i32 from vector<16xi32>
          %ge3A_130 = arith.constant 0 : i32
          %ge3A_131 = arith.cmpi sge, %reduce_max3A_129, %ge3A_130 : i32
          %mul3A_132 = arith.constant 16 : i32
          %mul3A_133 = arith.muli %while3A_113, %mul3A_132 : i32
          %add3A_134 = arith.constant 5120 : i32
          %add3A_135 = arith.addi %add3A_134, %mul3A_133 : i32
          %add3A_136 = arith.addi %add3A_135, %reduce_max3A_129 : i32
          %jit3A_137 = arith.constant -1 : i32
          %select_n3A_138 = arith.select %ge3A_131, %add3A_136, %jit3A_137 : i32
          %sub3A_139 = arith.constant 1 : i32
          %sub3A_140 = arith.subi %while3A_113, %sub3A_139 : i32
          scf.yield %select_n3A_138, %sub3A_140 : i32, i32
        }
        %swap3A_109 = arith.constant 0 : i32
        %swap3A_110 = arith.index_cast %swap3A_109 : i32 to index
        %swap3A_111 = memref.load %arg7[%swap3A_110] : memref<1xi32, #tpu.memory_space<smem>>
        memref.store %while3A_108#0, %arg7[%swap3A_110] : memref<1xi32, #tpu.memory_space<smem>>
      } else {
      }
      %get3A_54 = arith.constant 0 : i32
      %get3A_55 = arith.index_cast %get3A_54 : i32 to index
      %get3A_56 = memref.load %arg7[%get3A_55] : memref<1xi32, #tpu.memory_space<smem>>
      %lt3A_57 = arith.constant 0 : i32
      %lt3A_58 = arith.cmpi slt, %get3A_56, %lt3A_57 : i32
      %convert_element_type3A_59 = arith.extui %lt3A_58 : i1 to i32
      %cond3A_60 = arith.constant 0 : i32
      %cond3A_61 = arith.cmpi ne, %convert_element_type3A_59, %cond3A_60 : i32
      scf.if %cond3A_61 {
        %add3A_105 = arith.constant 4096 : i32
        %add3A_106 = arith.addi %mul3A_4, %add3A_105 : i32
        "tpu.region"() ({
          %run_scoped3A = tpu.sem_alloc : memref<!tpu.dma_semaphore, #tpu.memory_space<semaphore_mem>>
          %dma_start3A_112 = tpu.memref_slice %arg3[%add3A_106] : memref<32768xi32, #tpu.memory_space<hbm>> -> memref<1024xi32, #tpu.memory_space<hbm>>
          %dma_start3A_113 = tpu.memref_slice %arg3[%add3A_106] : memref<32768xi32, #tpu.memory_space<hbm>> -> memref<1024xi32, #tpu.memory_space<hbm>>
          tpu.enqueue_dma source(%dma_start3A_113 : memref<1024xi32, #tpu.memory_space<hbm>>) target(%arg5 : memref<1024xi32, #tpu.memory_space<vmem>>) target_semaphore(%run_scoped3A : memref<!tpu.dma_semaphore, #tpu.memory_space<semaphore_mem>>)
          %dma_wait3A_114 = tpu.memref_slice %arg3[%add3A_106] : memref<32768xi32, #tpu.memory_space<hbm>> -> memref<1024xi32, #tpu.memory_space<hbm>>
          %dma_wait3A_115 = tpu.memref_slice %arg3[%add3A_106] : memref<32768xi32, #tpu.memory_space<hbm>> -> memref<1024xi32, #tpu.memory_space<hbm>>
          tpu.wait_dma2 semaphore(%run_scoped3A : memref<!tpu.dma_semaphore, #tpu.memory_space<semaphore_mem>>) src(%dma_wait3A_115 : memref<1024xi32, #tpu.memory_space<hbm>>) dst(%arg5 : memref<1024xi32, #tpu.memory_space<vmem>>)
          tpu.yield
        }) : () -> ()
        %while3A = arith.constant -1 : i32
        %while3A_107 = arith.constant 63 : i32
        %while3A_108:2 = scf.while (%while3A_112 = %while3A, %while3A_113 = %while3A_107) : (i32, i32) -> (i32, i32) {
          %lt3A_114 = arith.constant 0 : i32
          %lt3A_115 = arith.cmpi slt, %while3A_112, %lt3A_114 : i32
          %ge3A_116 = arith.constant 0 : i32
          %ge3A_117 = arith.cmpi sge, %while3A_113, %ge3A_116 : i32
          %and3A = arith.andi %lt3A_115, %ge3A_117 : i1
          scf.condition(%and3A) %while3A_112, %while3A_113 : i32, i32
        } do {
        ^bb0(%while3A_112: i32, %while3A_113: i32):
          %mul3A_114 = arith.constant 16 : i32
          %mul3A_115 = arith.muli %while3A_113, %mul3A_114 : i32
          %get3A_116 = arith.index_cast %mul3A_115 : i32 to index
          %get3A_117 = tpu.vector_load %arg5[%get3A_116] {strides = array<i32>} : memref<1024xi32, #tpu.memory_space<vmem>>, vector<16xi32>,
          %eq3A_118 = arith.constant 1 : i32
          %eq3A_119 = vector.broadcast %eq3A_118 : i32 to vector<16xi32>
          %eq3A_120 = arith.cmpi eq, %get3A_117, %eq3A_119 : vector<16xi32>
          %select_n3A_121 = arith.select %eq3A_120, %iota3A, %broadcast_in_dim3A_10 : vector<16xi1>, vector<16xi32>
          %reduce_max3A_122 = arith.constant true
          %reduce_max3A_123 = vector.broadcast %reduce_max3A_122 : i1 to vector<16xi1>
          %reduce_max3A_124 = arith.constant -2147483648 : i32
          %reduce_max3A_125 = vector.broadcast %reduce_max3A_124 : i32 to vector<16xi32>
          %reduce_max3A_126 = arith.xori %select_n3A_121, %reduce_max3A_125 : vector<16xi32>
          %reduce_max3A_127 = tpu.scan <max>, %reduce_max3A_126 masked %reduce_max3A_123 : vector<16xi32>, vector<16xi1> -> vector<16xi32>
          %reduce_max3A_128 = arith.xori %reduce_max3A_127, %reduce_max3A_125 : vector<16xi32>
          %reduce_max3A_129 = vector.extract %reduce_max3A_128[15] : i32 from vector<16xi32>
          %ge3A_130 = arith.constant 0 : i32
          %ge3A_131 = arith.cmpi sge, %reduce_max3A_129, %ge3A_130 : i32
          %mul3A_132 = arith.constant 16 : i32
          %mul3A_133 = arith.muli %while3A_113, %mul3A_132 : i32
          %add3A_134 = arith.constant 4096 : i32
          %add3A_135 = arith.addi %add3A_134, %mul3A_133 : i32
          %add3A_136 = arith.addi %add3A_135, %reduce_max3A_129 : i32
          %jit3A_137 = arith.constant -1 : i32
          %select_n3A_138 = arith.select %ge3A_131, %add3A_136, %jit3A_137 : i32
          %sub3A_139 = arith.constant 1 : i32
          %sub3A_140 = arith.subi %while3A_113, %sub3A_139 : i32
          scf.yield %select_n3A_138, %sub3A_140 : i32, i32
        }
        %swap3A_109 = arith.constant 0 : i32
        %swap3A_110 = arith.index_cast %swap3A_109 : i32 to index
        %swap3A_111 = memref.load %arg7[%swap3A_110] : memref<1xi32, #tpu.memory_space<smem>>
        memref.store %while3A_108#0, %arg7[%swap3A_110] : memref<1xi32, #tpu.memory_space<smem>>
      } else {
      }
      %get3A_62 = arith.constant 0 : i32
      %get3A_63 = arith.index_cast %get3A_62 : i32 to index
      %get3A_64 = memref.load %arg7[%get3A_63] : memref<1xi32, #tpu.memory_space<smem>>
      %lt3A_65 = arith.constant 0 : i32
      %lt3A_66 = arith.cmpi slt, %get3A_64, %lt3A_65 : i32
      %convert_element_type3A_67 = arith.extui %lt3A_66 : i1 to i32
      %cond3A_68 = arith.constant 0 : i32
      %cond3A_69 = arith.cmpi ne, %convert_element_type3A_67, %cond3A_68 : i32
      scf.if %cond3A_69 {
        %add3A_105 = arith.constant 3072 : i32
        %add3A_106 = arith.addi %mul3A_4, %add3A_105 : i32
        "tpu.region"() ({
          %run_scoped3A = tpu.sem_alloc : memref<!tpu.dma_semaphore, #tpu.memory_space<semaphore_mem>>
          %dma_start3A_112 = tpu.memref_slice %arg3[%add3A_106] : memref<32768xi32, #tpu.memory_space<hbm>> -> memref<1024xi32, #tpu.memory_space<hbm>>
          %dma_start3A_113 = tpu.memref_slice %arg3[%add3A_106] : memref<32768xi32, #tpu.memory_space<hbm>> -> memref<1024xi32, #tpu.memory_space<hbm>>
          tpu.enqueue_dma source(%dma_start3A_113 : memref<1024xi32, #tpu.memory_space<hbm>>) target(%arg5 : memref<1024xi32, #tpu.memory_space<vmem>>) target_semaphore(%run_scoped3A : memref<!tpu.dma_semaphore, #tpu.memory_space<semaphore_mem>>)
          %dma_wait3A_114 = tpu.memref_slice %arg3[%add3A_106] : memref<32768xi32, #tpu.memory_space<hbm>> -> memref<1024xi32, #tpu.memory_space<hbm>>
          %dma_wait3A_115 = tpu.memref_slice %arg3[%add3A_106] : memref<32768xi32, #tpu.memory_space<hbm>> -> memref<1024xi32, #tpu.memory_space<hbm>>
          tpu.wait_dma2 semaphore(%run_scoped3A : memref<!tpu.dma_semaphore, #tpu.memory_space<semaphore_mem>>) src(%dma_wait3A_115 : memref<1024xi32, #tpu.memory_space<hbm>>) dst(%arg5 : memref<1024xi32, #tpu.memory_space<vmem>>)
          tpu.yield
        }) : () -> ()
        %while3A = arith.constant -1 : i32
        %while3A_107 = arith.constant 63 : i32
        %while3A_108:2 = scf.while (%while3A_112 = %while3A, %while3A_113 = %while3A_107) : (i32, i32) -> (i32, i32) {
          %lt3A_114 = arith.constant 0 : i32
          %lt3A_115 = arith.cmpi slt, %while3A_112, %lt3A_114 : i32
          %ge3A_116 = arith.constant 0 : i32
          %ge3A_117 = arith.cmpi sge, %while3A_113, %ge3A_116 : i32
          %and3A = arith.andi %lt3A_115, %ge3A_117 : i1
          scf.condition(%and3A) %while3A_112, %while3A_113 : i32, i32
        } do {
        ^bb0(%while3A_112: i32, %while3A_113: i32):
          %mul3A_114 = arith.constant 16 : i32
          %mul3A_115 = arith.muli %while3A_113, %mul3A_114 : i32
          %get3A_116 = arith.index_cast %mul3A_115 : i32 to index
          %get3A_117 = tpu.vector_load %arg5[%get3A_116] {strides = array<i32>} : memref<1024xi32, #tpu.memory_space<vmem>>, vector<16xi32>,
          %eq3A_118 = arith.constant 1 : i32
          %eq3A_119 = vector.broadcast %eq3A_118 : i32 to vector<16xi32>
          %eq3A_120 = arith.cmpi eq, %get3A_117, %eq3A_119 : vector<16xi32>
          %select_n3A_121 = arith.select %eq3A_120, %iota3A, %broadcast_in_dim3A_10 : vector<16xi1>, vector<16xi32>
          %reduce_max3A_122 = arith.constant true
          %reduce_max3A_123 = vector.broadcast %reduce_max3A_122 : i1 to vector<16xi1>
          %reduce_max3A_124 = arith.constant -2147483648 : i32
          %reduce_max3A_125 = vector.broadcast %reduce_max3A_124 : i32 to vector<16xi32>
          %reduce_max3A_126 = arith.xori %select_n3A_121, %reduce_max3A_125 : vector<16xi32>
          %reduce_max3A_127 = tpu.scan <max>, %reduce_max3A_126 masked %reduce_max3A_123 : vector<16xi32>, vector<16xi1> -> vector<16xi32>
          %reduce_max3A_128 = arith.xori %reduce_max3A_127, %reduce_max3A_125 : vector<16xi32>
          %reduce_max3A_129 = vector.extract %reduce_max3A_128[15] : i32 from vector<16xi32>
          %ge3A_130 = arith.constant 0 : i32
          %ge3A_131 = arith.cmpi sge, %reduce_max3A_129, %ge3A_130 : i32
          %mul3A_132 = arith.constant 16 : i32
          %mul3A_133 = arith.muli %while3A_113, %mul3A_132 : i32
          %add3A_134 = arith.constant 3072 : i32
          %add3A_135 = arith.addi %add3A_134, %mul3A_133 : i32
          %add3A_136 = arith.addi %add3A_135, %reduce_max3A_129 : i32
          %jit3A_137 = arith.constant -1 : i32
          %select_n3A_138 = arith.select %ge3A_131, %add3A_136, %jit3A_137 : i32
          %sub3A_139 = arith.constant 1 : i32
          %sub3A_140 = arith.subi %while3A_113, %sub3A_139 : i32
          scf.yield %select_n3A_138, %sub3A_140 : i32, i32
        }
        %swap3A_109 = arith.constant 0 : i32
        %swap3A_110 = arith.index_cast %swap3A_109 : i32 to index
        %swap3A_111 = memref.load %arg7[%swap3A_110] : memref<1xi32, #tpu.memory_space<smem>>
        memref.store %while3A_108#0, %arg7[%swap3A_110] : memref<1xi32, #tpu.memory_space<smem>>
      } else {
      }
      %get3A_70 = arith.constant 0 : i32
      %get3A_71 = arith.index_cast %get3A_70 : i32 to index
      %get3A_72 = memref.load %arg7[%get3A_71] : memref<1xi32, #tpu.memory_space<smem>>
      %lt3A_73 = arith.constant 0 : i32
      %lt3A_74 = arith.cmpi slt, %get3A_72, %lt3A_73 : i32
      %convert_element_type3A_75 = arith.extui %lt3A_74 : i1 to i32
      %cond3A_76 = arith.constant 0 : i32
      %cond3A_77 = arith.cmpi ne, %convert_element_type3A_75, %cond3A_76 : i32
      scf.if %cond3A_77 {
        %add3A_105 = arith.constant 2048 : i32
        %add3A_106 = arith.addi %mul3A_4, %add3A_105 : i32
        "tpu.region"() ({
          %run_scoped3A = tpu.sem_alloc : memref<!tpu.dma_semaphore, #tpu.memory_space<semaphore_mem>>
          %dma_start3A_112 = tpu.memref_slice %arg3[%add3A_106] : memref<32768xi32, #tpu.memory_space<hbm>> -> memref<1024xi32, #tpu.memory_space<hbm>>
          %dma_start3A_113 = tpu.memref_slice %arg3[%add3A_106] : memref<32768xi32, #tpu.memory_space<hbm>> -> memref<1024xi32, #tpu.memory_space<hbm>>
          tpu.enqueue_dma source(%dma_start3A_113 : memref<1024xi32, #tpu.memory_space<hbm>>) target(%arg5 : memref<1024xi32, #tpu.memory_space<vmem>>) target_semaphore(%run_scoped3A : memref<!tpu.dma_semaphore, #tpu.memory_space<semaphore_mem>>)
          %dma_wait3A_114 = tpu.memref_slice %arg3[%add3A_106] : memref<32768xi32, #tpu.memory_space<hbm>> -> memref<1024xi32, #tpu.memory_space<hbm>>
          %dma_wait3A_115 = tpu.memref_slice %arg3[%add3A_106] : memref<32768xi32, #tpu.memory_space<hbm>> -> memref<1024xi32, #tpu.memory_space<hbm>>
          tpu.wait_dma2 semaphore(%run_scoped3A : memref<!tpu.dma_semaphore, #tpu.memory_space<semaphore_mem>>) src(%dma_wait3A_115 : memref<1024xi32, #tpu.memory_space<hbm>>) dst(%arg5 : memref<1024xi32, #tpu.memory_space<vmem>>)
          tpu.yield
        }) : () -> ()
        %while3A = arith.constant -1 : i32
        %while3A_107 = arith.constant 63 : i32
        %while3A_108:2 = scf.while (%while3A_112 = %while3A, %while3A_113 = %while3A_107) : (i32, i32) -> (i32, i32) {
          %lt3A_114 = arith.constant 0 : i32
          %lt3A_115 = arith.cmpi slt, %while3A_112, %lt3A_114 : i32
          %ge3A_116 = arith.constant 0 : i32
          %ge3A_117 = arith.cmpi sge, %while3A_113, %ge3A_116 : i32
          %and3A = arith.andi %lt3A_115, %ge3A_117 : i1
          scf.condition(%and3A) %while3A_112, %while3A_113 : i32, i32
        } do {
        ^bb0(%while3A_112: i32, %while3A_113: i32):
          %mul3A_114 = arith.constant 16 : i32
          %mul3A_115 = arith.muli %while3A_113, %mul3A_114 : i32
          %get3A_116 = arith.index_cast %mul3A_115 : i32 to index
          %get3A_117 = tpu.vector_load %arg5[%get3A_116] {strides = array<i32>} : memref<1024xi32, #tpu.memory_space<vmem>>, vector<16xi32>,
          %eq3A_118 = arith.constant 1 : i32
          %eq3A_119 = vector.broadcast %eq3A_118 : i32 to vector<16xi32>
          %eq3A_120 = arith.cmpi eq, %get3A_117, %eq3A_119 : vector<16xi32>
          %select_n3A_121 = arith.select %eq3A_120, %iota3A, %broadcast_in_dim3A_10 : vector<16xi1>, vector<16xi32>
          %reduce_max3A_122 = arith.constant true
          %reduce_max3A_123 = vector.broadcast %reduce_max3A_122 : i1 to vector<16xi1>
          %reduce_max3A_124 = arith.constant -2147483648 : i32
          %reduce_max3A_125 = vector.broadcast %reduce_max3A_124 : i32 to vector<16xi32>
          %reduce_max3A_126 = arith.xori %select_n3A_121, %reduce_max3A_125 : vector<16xi32>
          %reduce_max3A_127 = tpu.scan <max>, %reduce_max3A_126 masked %reduce_max3A_123 : vector<16xi32>, vector<16xi1> -> vector<16xi32>
          %reduce_max3A_128 = arith.xori %reduce_max3A_127, %reduce_max3A_125 : vector<16xi32>
          %reduce_max3A_129 = vector.extract %reduce_max3A_128[15] : i32 from vector<16xi32>
          %ge3A_130 = arith.constant 0 : i32
          %ge3A_131 = arith.cmpi sge, %reduce_max3A_129, %ge3A_130 : i32
          %mul3A_132 = arith.constant 16 : i32
          %mul3A_133 = arith.muli %while3A_113, %mul3A_132 : i32
          %add3A_134 = arith.constant 2048 : i32
          %add3A_135 = arith.addi %add3A_134, %mul3A_133 : i32
          %add3A_136 = arith.addi %add3A_135, %reduce_max3A_129 : i32
          %jit3A_137 = arith.constant -1 : i32
          %select_n3A_138 = arith.select %ge3A_131, %add3A_136, %jit3A_137 : i32
          %sub3A_139 = arith.constant 1 : i32
          %sub3A_140 = arith.subi %while3A_113, %sub3A_139 : i32
          scf.yield %select_n3A_138, %sub3A_140 : i32, i32
        }
        %swap3A_109 = arith.constant 0 : i32
        %swap3A_110 = arith.index_cast %swap3A_109 : i32 to index
        %swap3A_111 = memref.load %arg7[%swap3A_110] : memref<1xi32, #tpu.memory_space<smem>>
        memref.store %while3A_108#0, %arg7[%swap3A_110] : memref<1xi32, #tpu.memory_space<smem>>
      } else {
      }
      %get3A_78 = arith.constant 0 : i32
      %get3A_79 = arith.index_cast %get3A_78 : i32 to index
      %get3A_80 = memref.load %arg7[%get3A_79] : memref<1xi32, #tpu.memory_space<smem>>
      %lt3A_81 = arith.constant 0 : i32
      %lt3A_82 = arith.cmpi slt, %get3A_80, %lt3A_81 : i32
      %convert_element_type3A_83 = arith.extui %lt3A_82 : i1 to i32
      %cond3A_84 = arith.constant 0 : i32
      %cond3A_85 = arith.cmpi ne, %convert_element_type3A_83, %cond3A_84 : i32
      scf.if %cond3A_85 {
        %add3A_105 = arith.constant 1024 : i32
        %add3A_106 = arith.addi %mul3A_4, %add3A_105 : i32
        "tpu.region"() ({
          %run_scoped3A = tpu.sem_alloc : memref<!tpu.dma_semaphore, #tpu.memory_space<semaphore_mem>>
          %dma_start3A_112 = tpu.memref_slice %arg3[%add3A_106] : memref<32768xi32, #tpu.memory_space<hbm>> -> memref<1024xi32, #tpu.memory_space<hbm>>
          %dma_start3A_113 = tpu.memref_slice %arg3[%add3A_106] : memref<32768xi32, #tpu.memory_space<hbm>> -> memref<1024xi32, #tpu.memory_space<hbm>>
          tpu.enqueue_dma source(%dma_start3A_113 : memref<1024xi32, #tpu.memory_space<hbm>>) target(%arg5 : memref<1024xi32, #tpu.memory_space<vmem>>) target_semaphore(%run_scoped3A : memref<!tpu.dma_semaphore, #tpu.memory_space<semaphore_mem>>)
          %dma_wait3A_114 = tpu.memref_slice %arg3[%add3A_106] : memref<32768xi32, #tpu.memory_space<hbm>> -> memref<1024xi32, #tpu.memory_space<hbm>>
          %dma_wait3A_115 = tpu.memref_slice %arg3[%add3A_106] : memref<32768xi32, #tpu.memory_space<hbm>> -> memref<1024xi32, #tpu.memory_space<hbm>>
          tpu.wait_dma2 semaphore(%run_scoped3A : memref<!tpu.dma_semaphore, #tpu.memory_space<semaphore_mem>>) src(%dma_wait3A_115 : memref<1024xi32, #tpu.memory_space<hbm>>) dst(%arg5 : memref<1024xi32, #tpu.memory_space<vmem>>)
          tpu.yield
        }) : () -> ()
        %while3A = arith.constant -1 : i32
        %while3A_107 = arith.constant 63 : i32
        %while3A_108:2 = scf.while (%while3A_112 = %while3A, %while3A_113 = %while3A_107) : (i32, i32) -> (i32, i32) {
          %lt3A_114 = arith.constant 0 : i32
          %lt3A_115 = arith.cmpi slt, %while3A_112, %lt3A_114 : i32
          %ge3A_116 = arith.constant 0 : i32
          %ge3A_117 = arith.cmpi sge, %while3A_113, %ge3A_116 : i32
          %and3A = arith.andi %lt3A_115, %ge3A_117 : i1
          scf.condition(%and3A) %while3A_112, %while3A_113 : i32, i32
        } do {
        ^bb0(%while3A_112: i32, %while3A_113: i32):
          %mul3A_114 = arith.constant 16 : i32
          %mul3A_115 = arith.muli %while3A_113, %mul3A_114 : i32
          %get3A_116 = arith.index_cast %mul3A_115 : i32 to index
          %get3A_117 = tpu.vector_load %arg5[%get3A_116] {strides = array<i32>} : memref<1024xi32, #tpu.memory_space<vmem>>, vector<16xi32>,
          %eq3A_118 = arith.constant 1 : i32
          %eq3A_119 = vector.broadcast %eq3A_118 : i32 to vector<16xi32>
          %eq3A_120 = arith.cmpi eq, %get3A_117, %eq3A_119 : vector<16xi32>
          %select_n3A_121 = arith.select %eq3A_120, %iota3A, %broadcast_in_dim3A_10 : vector<16xi1>, vector<16xi32>
          %reduce_max3A_122 = arith.constant true
          %reduce_max3A_123 = vector.broadcast %reduce_max3A_122 : i1 to vector<16xi1>
          %reduce_max3A_124 = arith.constant -2147483648 : i32
          %reduce_max3A_125 = vector.broadcast %reduce_max3A_124 : i32 to vector<16xi32>
          %reduce_max3A_126 = arith.xori %select_n3A_121, %reduce_max3A_125 : vector<16xi32>
          %reduce_max3A_127 = tpu.scan <max>, %reduce_max3A_126 masked %reduce_max3A_123 : vector<16xi32>, vector<16xi1> -> vector<16xi32>
          %reduce_max3A_128 = arith.xori %reduce_max3A_127, %reduce_max3A_125 : vector<16xi32>
          %reduce_max3A_129 = vector.extract %reduce_max3A_128[15] : i32 from vector<16xi32>
          %ge3A_130 = arith.constant 0 : i32
          %ge3A_131 = arith.cmpi sge, %reduce_max3A_129, %ge3A_130 : i32
          %mul3A_132 = arith.constant 16 : i32
          %mul3A_133 = arith.muli %while3A_113, %mul3A_132 : i32
          %add3A_134 = arith.constant 1024 : i32
          %add3A_135 = arith.addi %add3A_134, %mul3A_133 : i32
          %add3A_136 = arith.addi %add3A_135, %reduce_max3A_129 : i32
          %jit3A_137 = arith.constant -1 : i32
          %select_n3A_138 = arith.select %ge3A_131, %add3A_136, %jit3A_137 : i32
          %sub3A_139 = arith.constant 1 : i32
          %sub3A_140 = arith.subi %while3A_113, %sub3A_139 : i32
          scf.yield %select_n3A_138, %sub3A_140 : i32, i32
        }
        %swap3A_109 = arith.constant 0 : i32
        %swap3A_110 = arith.index_cast %swap3A_109 : i32 to index
        %swap3A_111 = memref.load %arg7[%swap3A_110] : memref<1xi32, #tpu.memory_space<smem>>
        memref.store %while3A_108#0, %arg7[%swap3A_110] : memref<1xi32, #tpu.memory_space<smem>>
      } else {
      }
      %get3A_86 = arith.constant 0 : i32
      %get3A_87 = arith.index_cast %get3A_86 : i32 to index
      %get3A_88 = memref.load %arg7[%get3A_87] : memref<1xi32, #tpu.memory_space<smem>>
      %lt3A_89 = arith.constant 0 : i32
      %lt3A_90 = arith.cmpi slt, %get3A_88, %lt3A_89 : i32
      %convert_element_type3A_91 = arith.extui %lt3A_90 : i1 to i32
      %cond3A_92 = arith.constant 0 : i32
      %cond3A_93 = arith.cmpi ne, %convert_element_type3A_91, %cond3A_92 : i32
      scf.if %cond3A_93 {
        %add3A_105 = arith.constant 0 : i32
        %add3A_106 = arith.addi %mul3A_4, %add3A_105 : i32
        "tpu.region"() ({
          %run_scoped3A = tpu.sem_alloc : memref<!tpu.dma_semaphore, #tpu.memory_space<semaphore_mem>>
          %dma_start3A_112 = tpu.memref_slice %arg3[%add3A_106] : memref<32768xi32, #tpu.memory_space<hbm>> -> memref<1024xi32, #tpu.memory_space<hbm>>
          %dma_start3A_113 = tpu.memref_slice %arg3[%add3A_106] : memref<32768xi32, #tpu.memory_space<hbm>> -> memref<1024xi32, #tpu.memory_space<hbm>>
          tpu.enqueue_dma source(%dma_start3A_113 : memref<1024xi32, #tpu.memory_space<hbm>>) target(%arg5 : memref<1024xi32, #tpu.memory_space<vmem>>) target_semaphore(%run_scoped3A : memref<!tpu.dma_semaphore, #tpu.memory_space<semaphore_mem>>)
          %dma_wait3A_114 = tpu.memref_slice %arg3[%add3A_106] : memref<32768xi32, #tpu.memory_space<hbm>> -> memref<1024xi32, #tpu.memory_space<hbm>>
          %dma_wait3A_115 = tpu.memref_slice %arg3[%add3A_106] : memref<32768xi32, #tpu.memory_space<hbm>> -> memref<1024xi32, #tpu.memory_space<hbm>>
          tpu.wait_dma2 semaphore(%run_scoped3A : memref<!tpu.dma_semaphore, #tpu.memory_space<semaphore_mem>>) src(%dma_wait3A_115 : memref<1024xi32, #tpu.memory_space<hbm>>) dst(%arg5 : memref<1024xi32, #tpu.memory_space<vmem>>)
          tpu.yield
        }) : () -> ()
        %while3A = arith.constant -1 : i32
        %while3A_107 = arith.constant 63 : i32
        %while3A_108:2 = scf.while (%while3A_112 = %while3A, %while3A_113 = %while3A_107) : (i32, i32) -> (i32, i32) {
          %lt3A_114 = arith.constant 0 : i32
          %lt3A_115 = arith.cmpi slt, %while3A_112, %lt3A_114 : i32
          %ge3A_116 = arith.constant 0 : i32
          %ge3A_117 = arith.cmpi sge, %while3A_113, %ge3A_116 : i32
          %and3A = arith.andi %lt3A_115, %ge3A_117 : i1
          scf.condition(%and3A) %while3A_112, %while3A_113 : i32, i32
        } do {
        ^bb0(%while3A_112: i32, %while3A_113: i32):
          %mul3A_114 = arith.constant 16 : i32
          %mul3A_115 = arith.muli %while3A_113, %mul3A_114 : i32
          %get3A_116 = arith.index_cast %mul3A_115 : i32 to index
          %get3A_117 = tpu.vector_load %arg5[%get3A_116] {strides = array<i32>} : memref<1024xi32, #tpu.memory_space<vmem>>, vector<16xi32>,
          %eq3A_118 = arith.constant 1 : i32
          %eq3A_119 = vector.broadcast %eq3A_118 : i32 to vector<16xi32>
          %eq3A_120 = arith.cmpi eq, %get3A_117, %eq3A_119 : vector<16xi32>
          %select_n3A_121 = arith.select %eq3A_120, %iota3A, %broadcast_in_dim3A_10 : vector<16xi1>, vector<16xi32>
          %reduce_max3A_122 = arith.constant true
          %reduce_max3A_123 = vector.broadcast %reduce_max3A_122 : i1 to vector<16xi1>
          %reduce_max3A_124 = arith.constant -2147483648 : i32
          %reduce_max3A_125 = vector.broadcast %reduce_max3A_124 : i32 to vector<16xi32>
          %reduce_max3A_126 = arith.xori %select_n3A_121, %reduce_max3A_125 : vector<16xi32>
          %reduce_max3A_127 = tpu.scan <max>, %reduce_max3A_126 masked %reduce_max3A_123 : vector<16xi32>, vector<16xi1> -> vector<16xi32>
          %reduce_max3A_128 = arith.xori %reduce_max3A_127, %reduce_max3A_125 : vector<16xi32>
          %reduce_max3A_129 = vector.extract %reduce_max3A_128[15] : i32 from vector<16xi32>
          %ge3A_130 = arith.constant 0 : i32
          %ge3A_131 = arith.cmpi sge, %reduce_max3A_129, %ge3A_130 : i32
          %mul3A_132 = arith.constant 16 : i32
          %mul3A_133 = arith.muli %while3A_113, %mul3A_132 : i32
          %add3A_134 = arith.constant 0 : i32
          %add3A_135 = arith.addi %add3A_134, %mul3A_133 : i32
          %add3A_136 = arith.addi %add3A_135, %reduce_max3A_129 : i32
          %jit3A_137 = arith.constant -1 : i32
          %select_n3A_138 = arith.select %ge3A_131, %add3A_136, %jit3A_137 : i32
          %sub3A_139 = arith.constant 1 : i32
          %sub3A_140 = arith.subi %while3A_113, %sub3A_139 : i32
          scf.yield %select_n3A_138, %sub3A_140 : i32, i32
        }
        %swap3A_109 = arith.constant 0 : i32
        %swap3A_110 = arith.index_cast %swap3A_109 : i32 to index
        %swap3A_111 = memref.load %arg7[%swap3A_110] : memref<1xi32, #tpu.memory_space<smem>>
        memref.store %while3A_108#0, %arg7[%swap3A_110] : memref<1xi32, #tpu.memory_space<smem>>
      } else {
      }
      %get3A_94 = arith.constant 0 : i32
      %get3A_95 = arith.index_cast %get3A_94 : i32 to index
      %get3A_96 = memref.load %arg7[%get3A_95] : memref<1xi32, #tpu.memory_space<smem>>
      %max3A = arith.constant 0 : i32
      %max3A_97 = arith.maxsi %get3A_96, %max3A : i32
      %dma_wait3A = arith.constant 0 : i32
      %dma_wait3A_98 = tpu.memref_slice %arg2[%add3A_6, %dma_wait3A] : memref<32768x1024xf32, #tpu.memory_space<hbm>> -> memref<1x1024xf32, #tpu.memory_space<hbm>>
      %dma_wait3A_99 = arith.constant 0 : i32
      %dma_wait3A_100 = tpu.memref_slice %arg2[%add3A_6, %dma_wait3A_99] : memref<32768x1024xf32, #tpu.memory_space<hbm>> -> memref<1x1024xf32, #tpu.memory_space<hbm>>
      tpu.wait_dma2 semaphore(%arg8 : memref<!tpu.dma_semaphore, #tpu.memory_space<semaphore_mem>>) src(%dma_wait3A_100 : memref<1x1024xf32, #tpu.memory_space<hbm>>) dst(%arg6 : memref<1x1024xf32, #tpu.memory_space<vmem>>)
      %ne3A = arith.constant 8191 : i32
      %ne3A_101 = arith.cmpi ne, %max3A_97, %ne3A : i32
      %convert_element_type3A_102 = arith.extui %ne3A_101 : i1 to i32
      %cond3A_103 = arith.constant 0 : i32
      %cond3A_104 = arith.cmpi ne, %convert_element_type3A_102, %cond3A_103 : i32
      scf.if %cond3A_104 {
        %add3A_105 = arith.addi %mul3A_4, %max3A_97 : i32
        "tpu.region"() ({
          %run_scoped3A = tpu.sem_alloc : memref<!tpu.dma_semaphore, #tpu.memory_space<semaphore_mem>>
          %dma_start3A_106 = arith.constant 0 : i32
          %dma_start3A_107 = tpu.memref_slice %arg2[%add3A_105, %dma_start3A_106] : memref<32768x1024xf32, #tpu.memory_space<hbm>> -> memref<1x1024xf32, #tpu.memory_space<hbm>>
          %dma_start3A_108 = arith.constant 0 : i32
          %dma_start3A_109 = tpu.memref_slice %arg2[%add3A_105, %dma_start3A_108] : memref<32768x1024xf32, #tpu.memory_space<hbm>> -> memref<1x1024xf32, #tpu.memory_space<hbm>>
          tpu.enqueue_dma source(%dma_start3A_109 : memref<1x1024xf32, #tpu.memory_space<hbm>>) target(%arg6 : memref<1x1024xf32, #tpu.memory_space<vmem>>) target_semaphore(%run_scoped3A : memref<!tpu.dma_semaphore, #tpu.memory_space<semaphore_mem>>)
          %dma_wait3A_110 = arith.constant 0 : i32
          %dma_wait3A_111 = tpu.memref_slice %arg2[%add3A_105, %dma_wait3A_110] : memref<32768x1024xf32, #tpu.memory_space<hbm>> -> memref<1x1024xf32, #tpu.memory_space<hbm>>
          %dma_wait3A_112 = arith.constant 0 : i32
          %dma_wait3A_113 = tpu.memref_slice %arg2[%add3A_105, %dma_wait3A_112] : memref<32768x1024xf32, #tpu.memory_space<hbm>> -> memref<1x1024xf32, #tpu.memory_space<hbm>>
          tpu.wait_dma2 semaphore(%run_scoped3A : memref<!tpu.dma_semaphore, #tpu.memory_space<semaphore_mem>>) src(%dma_wait3A_113 : memref<1x1024xf32, #tpu.memory_space<hbm>>) dst(%arg6 : memref<1x1024xf32, #tpu.memory_space<vmem>>)
          tpu.yield
        }) : () -> ()
      } else {
      }
      "tpu.region"() ({
        %run_scoped3A = tpu.sem_alloc : memref<!tpu.dma_semaphore, #tpu.memory_space<semaphore_mem>>
        %dma_start3A_105 = arith.constant 0 : i32
        %dma_start3A_106 = tpu.memref_slice %arg4[%add3A, %dma_start3A_105] : memref<4x1024xf32, #tpu.memory_space<hbm>> -> memref<1x1024xf32, #tpu.memory_space<hbm>>
        %dma_start3A_107 = arith.constant 0 : i32
        %dma_start3A_108 = tpu.memref_slice %arg4[%add3A, %dma_start3A_107] : memref<4x1024xf32, #tpu.memory_space<hbm>> -> memref<1x1024xf32, #tpu.memory_space<hbm>>
        tpu.enqueue_dma source(%arg6 : memref<1x1024xf32, #tpu.memory_space<vmem>>) target(%dma_start3A_108 : memref<1x1024xf32, #tpu.memory_space<hbm>>) target_semaphore(%run_scoped3A : memref<!tpu.dma_semaphore, #tpu.memory_space<semaphore_mem>>)
        %dma_wait3A_109 = arith.constant 0 : i32
        %dma_wait3A_110 = tpu.memref_slice %arg4[%add3A, %dma_wait3A_109] : memref<4x1024xf32, #tpu.memory_space<hbm>> -> memref<1x1024xf32, #tpu.memory_space<hbm>>
        %dma_wait3A_111 = arith.constant 0 : i32
        %dma_wait3A_112 = tpu.memref_slice %arg4[%add3A, %dma_wait3A_111] : memref<4x1024xf32, #tpu.memory_space<hbm>> -> memref<1x1024xf32, #tpu.memory_space<hbm>>
        tpu.wait_dma2 semaphore(%run_scoped3A : memref<!tpu.dma_semaphore, #tpu.memory_space<semaphore_mem>>) src(%arg6 : memref<1x1024xf32, #tpu.memory_space<vmem>>) dst(%dma_wait3A_112 : memref<1x1024xf32, #tpu.memory_space<hbm>>)
        tpu.yield
      }) : () -> ()
    } else {
    }
    return
  }
}

</mosaic_0001>

<sc_bundles>
// kernel: kernel.3.cloned.1.call-start
scs
__scs_entry_jumppad:
0x0: {  	(pc) =	sbr.rel $0x88, $3  }
0x1: {  	(tag) =	ssettag $0x0;
	lr =	simm.s32 $0x1  }
0x2: {  	[smem:$0x3F9F] =	sst lr;
	_ =	strace $0xD0000000  }
0x3: {  	_ = 	snop  }
0x4: {  	_ = 	snop  }
0x5: {  	_ = 	snop  }
0x6: {  	_ = 	snop  }
0x7: {  	_ = 	snop  }
__scs_overlays_trampoline_lowered:
0x8: {  	[smem:$0x3FAE] =	sst s0  }
0x9: {  	[smem:$0x3FAF] =	sst s1  }
0xa: {  	[smem:$0x3FB0] =	sst s2  }
0xb: {  	[smem:$0x3FB1] =	sst s3  }
0xc: {  	[smem:$0x3FB2] =	sst s4  }
0xd: {  	[smem:$0x3FB3] =	sst s5  }
0xe: {  	[smem:$0x3FB4] =	sst s6  }
0xf: {  	[smem:$0x3FB5] =	sst s7  }
0x10: {  	[smem:$0x3FB6] =	sst s8  }
0x11: {  	[smem:$0x3FB7] =	sst s9;
	s0 =	simm.s32 @!p0 $0x0  }
0x12: {  	s1 =	sld [smem:$0x3F9D];
	s0 =	simm.s32 @p0 $0x1  }
0x13: {  	[smem:$0x3FB8] =	sst s0;
	s0 =	simm.s32 @!p1 $0x0  }
0x14: {  	s2 =	sld [smem:$0x3F9C];
	s0 =	simm.s32 @p1 $0x1  }
0x15: {  	[smem:$0x3FB9] =	sst s0;
	s0 =	simm.s32 @!p2 $0x0  }
0x16: {  	s3 =	sld [smem:$0x3FDB];
	s0 =	simm.s32 @p2 $0x1  }
0x17: {  	s4 =	simm.s32 $0x1BF5;
	[smem:$0x3FBB] =	sst s0  }
0x18: {  	s0 =	sld [smem:$0x3F9E];
	_ =	swait.ge [sflag:s4], $0x0  }
0x19: {  	s7 =	sld [smem:$0x3F9F]  }
0x1a: {  	s8 =	sadd.s32 $0xFFFFE003, lr  }
0x1b: {  	s9 =	sadd.s32 $0xFFFFFEF7, lr;
	s5 =	simm.s32 $0xFFFFFFFF;
	p2 =	slt.u32 s8, $0xFFFFF086  }
0x1c: {  	p1 =	slt.u32 s9, $0xF7A;
	s5 =	simm.s32 @!p2 $0x0  }
0x1d: {  	s5 =	simm.s32 @p1 $0x1;
	p0 =	seq.s32 s7, s2  }
0x1e: {  	s7 =	smul.u32 @!p0 $0xF7A, s2;
	p2 =	seq.s32 @!p0 s5, $0x0  }
0x1f: {  	s9 =	smul.u32 $0xF7A, s1;
	s8 =	simm.s32 @!p0 $0x1BF5;
	p2 =	por !p2, p0  }
0x20: {  	[sflag:s8] =	ssyncset.s32 @!p0 $0xFFFFF086;
	s6 =	sadd.s32 @!p0 s3, s7;
	s7 =	simm.s32 @!p0 $0x108  }
0x21: {  	s3 =	sadd.s32 s3, s9;
	s6 =	sadd.s32 @!p0 $0x88, s6;
	s7 =	simm.s32 @p2 $0x1082  }
0x22: {  	[simem:s7], [sflag:s8] =	dma.local @!p0 [hbm:s6], $0xF7A  }
0x23: {  	s9 =	sor.u32 $0xD0000000, s2;
	s6 =	simm.s32 $0x108;
	_ =	swait.ge @!p0 [sflag:s8], $0x0  }
0x24: {  	s3 =	sadd.s32 $0x88, s3;
	s6 =	simm.s32 @!p1 $0x1082;
	[sflag:s4] =	ssyncset.s32 $0xFFFFF086  }
0x25: {  	[simem:s6], [sflag:s4] =	dma.local [hbm:s3], $0xF7A  }
0x26: {  	[smem:$0x3F9F] =	sst s1;
	(tag) =	ssettag s2;
	_ =	strace s9  }
0x27: {  	s1 =	sld [smem:$0x3FAF]  }
0x28: {  	s2 =	sld [smem:$0x3FB0]  }
0x29: {  	s4 =	sld [smem:$0x3FB2]  }
0x2a: {  	p0 =	seq.s32 s5, $0x0;
	s5 =	sld [smem:$0x3FB3]  }
0x2b: {  	s6 =	sld [smem:$0x3FB4]  }
0x2c: {  	s7 =	sld [smem:$0x3FB5]  }
0x2d: {  	s3 =	simm.s32 $0x108;
	s8 =	sld [smem:$0x3FB6]  }
0x2e: {  	s3 =	simm.s32 @!p0 $0x1082;
	s9 =	sld [smem:$0x3FB7]  }
0x2f: {  	lr =	sadd.s32 s0, s3;
	s0 =	sld [smem:$0x3FAE]  }
0x30: {  	s3 =	sld [smem:$0x3FB1]  }
0x31: {  	[smem:$0x3FBA] =	sst s10  }
0x32: {  	s10 =	sld [smem:$0x3FB8];
	_ =	sdelay $0x3  }
0x33: {  	p0 =	seq.s32 s10, $0x1;
	s10 =	sld [smem:$0x3FBA];
	_ =	sdelay $0x3  }
0x34: {  	[smem:$0x3FBA] =	sst s10  }
0x35: {  	s10 =	sld [smem:$0x3FB9];
	_ =	sdelay $0x3  }
0x36: {  	p1 =	seq.s32 s10, $0x1;
	s10 =	sld [smem:$0x3FBA];
	_ =	sdelay $0x3  }
0x37: {  	[smem:$0x3FBA] =	sst s10  }
0x38: {  	s10 =	sld [smem:$0x3FBB]  }
0x39: {  	_ = 	snop;
	(pc) =	sbr.ind lr, $3  }
0x3a: {  	_ = 	snop  }
0x3b: {  	_ = 	snop  }
0x3c: {  	p2 =	seq.s32 s10, $0x1;
	s10 =	sld [smem:$0x3FBA]  }
0x3d: {  	_ =	shalt  }
0x3e: {  	_ =	shalt  }
0x3f: {  	_ =	shalt  }
0x40: {  	_ =	shalt  }
0x41: {  	_ =	shalt  }
0x42: {  	_ =	shalt  }
0x43: {  	_ =	shalt  }
0x44: {  	_ =	shalt  }
0x45: {  	_ =	shalt  }
0x46: {  	_ =	shalt  }
0x47: {  	_ =	shalt  }
0x48: {  	_ =	shalt  }
0x49: {  	_ =	shalt  }
0x4a: {  	_ =	shalt  }
0x4b: {  	_ =	shalt  }
0x4c: {  	_ =	shalt  }
0x4d: {  	_ =	shalt  }
0x4e: {  	_ =	shalt  }
0x4f: {  	_ =	shalt  }
0x50: {  	_ =	shalt  }
0x51: {  	_ =	shalt  }
0x52: {  	_ =	shalt  }
0x53: {  	_ =	shalt  }
0x54: {  	_ =	shalt  }
0x55: {  	_ =	shalt  }
0x56: {  	_ =	shalt  }
0x57: {  	_ =	shalt  }
0x58: {  	_ =	shalt  }
0x59: {  	_ =	shalt  }
0x5a: {  	_ =	shalt  }
0x5b: {  	_ =	shalt  }
0x5c: {  	_ =	shalt  }
0x5d: {  	_ =	shalt  }
0x5e: {  	_ =	shalt  }
0x5f: {  	_ =	shalt  }
0x60: {  	_ =	shalt  }
0x61: {  	_ =	shalt  }
0x62: {  	_ =	shalt  }
0x63: {  	_ =	shalt  }
0x64: {  	_ =	shalt  }
0x65: {  	_ =	shalt  }
0x66: {  	_ =	shalt  }
0x67: {  	_ =	shalt  }
0x68: {  	_ =	shalt  }
0x69: {  	_ =	shalt  }
0x6a: {  	_ =	shalt  }
0x6b: {  	_ =	shalt  }
0x6c: {  	_ =	shalt  }
0x6d: {  	_ =	shalt  }
0x6e: {  	_ =	shalt  }
0x6f: {  	_ =	shalt  }
0x70: {  	_ =	shalt  }
0x71: {  	_ =	shalt  }
0x72: {  	_ =	shalt  }
0x73: {  	_ =	shalt  }
0x74: {  	_ =	shalt  }
0x75: {  	_ =	shalt  }
0x76: {  	_ =	shalt  }
0x77: {  	_ =	shalt  }
0x78: {  	_ =	shalt  }
0x79: {  	_ =	shalt  }
0x7a: {  	_ =	shalt  }
0x7b: {  	_ =	shalt  }
0x7c: {  	_ =	shalt  }
0x7d: {  	_ =	shalt  }
0x7e: {  	_ =	shalt  }
0x7f: {  	_ =	shalt  }
0x80: {  	_ =	shalt  }
0x81: {  	_ =	shalt  }
0x82: {  	_ =	shalt  }
0x83: {  	_ =	shalt  }
0x84: {  	_ =	shalt  }
0x85: {  	_ =	shalt  }
0x86: {  	_ =	shalt  }
0x87: {  	_ =	shalt  }
.Lfunc_end0:
.L_simem_size_0:
called_computation_lowered:
.L_overlay_start_0:
0x88: {  	s2 =	sld [smem:$0x3FD9]  }
0x89: {  	s3 =	sld [smem:$0x3FFE];
	_ =	sdelay $0x1  }
0x8a: {  	s1 =	srdreg.scid  }
0x8b: {  	s0 =	sand.u32 $0x1, s1  }
0x8c: {  	s17 =	sshll.u32 s0, $0xA;
	s2 =	sadd.s32 s3, s2  }
0x8d: {  	s2 =	sadd.s32 s2, s17  }
0x8e: {  	[smem:$0x3FC6] =	sst s2  }
0x8f: {  	_ = 	snop  }
0x90: {  	s2 =	sld [smem:$0x3FC9]  }
0x91: {  	s18 =	sld [smem:$0x3FD0];
	(tm) =	ssettm $0x1  }
0x92: {  	s4 =	sld [smem:$0x3FFB];
	_ =	sdelay $0x3  }
0x93: {  	_ =	strace s4  }
0x94: {  	s4 =	sld [smem:$0x3FFC];
	_ =	sdelay $0x3  }
0x95: {  	_ =	strace s4  }
0x96: {  	s4 =	sld [smem:$0x3FFD];
	_ =	sdelay $0x3  }
0x97: {  	_ =	strace s4  }
0x98: {  	_ =	strace $0x8FFFFFFF  }
0x99: {  	s19 =	sld [smem:$0x3FDB];
	_ =	sdelay $0x1  }
0x9a: {  	s5 =	simm.s32 $_scs_section_size  }
0x9b: {  	s6 =	simm.s32 $_size__tile_overlayer_lowered;
	s7 =	simm.s32 $_tile_overlayer_lowered  }
0x9c: {  	s22 =	simm.s32 $0x1BFF;
	s21 =	sshll.u32 s7, $0x1;
	s4 =	sadd.s32 s5, s19  }
0x9d: {  	s8 =	simm.s32 $0x0;
	s20 =	sshll.u32 s6, $0x1;
	s6 =	sadd.s32 s21, s4  }
0x9e: {  	[timem:s8], [sflag:s22] =	dma.local [hbm:s6], s20  }
0x9f: {  	_ =	swait.ge [sflag:s22], s20  }
0xa0: {  	s5 =	ssub.s32 $0x0, s20;
	[sflag:s22] =	ssyncset.done $0x0  }
0xa1: {  	[sflag:s22] =	ssyncadd.s32 s5;
	_ =	sdelay $0x1  }
0xa2: {  	s23 =	simm.s32 $0x1B8B  }
0xa3: {  	_ =	swait.ge [sflag:s23], $0x1  }
0xa4: {  	[sflag:s23] =	ssyncset.done $0x0  }
0xa5: {  	s25 =	simm.s32 $0x1B8E;
	s24 =	sld [smem:$0x3FFE];
	[sflag:s23] =	ssyncadd.s32 $0xFFFFFFFF  }
0xa6: {  	s26 =	simm.s32 $execute0_lowered;
	[smem:$0x3FD2] =	sst s25  }
0xa7: {  	s6 =	sshll.u32 s26, $0x1;
	_ =	strace $0x80000046;
	[dreg:$0x1] =	wrdreg $0xFFFFFFFF  }
0xa8: {  	s28 =	simm.s32 $_size_execute0_lowered;
	s4 =	sadd.s32 s4, s6;
	[dreg:$0x0] =	wrdreg $0x0  }
0xa9: {  	s6 =	sshll.u32 s28, $0x1;
	[dreg:$0x2] =	wrdreg s4  }
0xaa: {  	[dreg:$0x3] =	wrdreg s6  }
0xab: {  	[dreg:$0x4] =	wrdreg $0xC0  }
0xac: {  	_ =	task [dreg:s8], $0x5FFFF  }
0xad: {  	[dreg:$0x1] =	wrdreg $0xFFFFFFFF  }
0xae: {  	[dreg:$0x0] =	wrdreg $0x60  }
0xaf: {  	[dreg:$0x2] =	wrdreg s2  }
0xb0: {  	[dreg:$0x3] =	wrdreg s24  }
0xb1: {  	[dreg:$0x4] =	wrdreg s18  }
0xb2: {  	[dreg:$0x5] =	wrdreg $0x9  }
0xb3: {  	_ =	task.clear_ibuf [dreg:s8], $0x6FFFF;
	_ =	strace $0x90000046  }
0xb4: {  	s29 =	simm.s32 $0x9;
	_ =	strace $0x80000048  }
0xb5: {  	_ =	swait.ge [sflag:s29], $0x1  }
0xb6: {  	[sflag:s29] =	ssyncadd.s32 $0xFFFFFFFF  }
0xb7: {  	_ =	strace $0x90000048  }
0xb8: {  	_ =	sfence  }
0xb9: {  	s30 =	sld [smem:$0x0];
	_ =	sdelay $0x2  }
0xba: {  	s31 =	sshll.u32 s1, $0xD;
	s1 =	sshrl.u32 s1, $0x2  }
0xbb: {  	s3 =	sand.u32 $0x4000, s31;
	s1 =	sadd.s32 s1, s30  }
0xbc: {  	s0 =	sor.u32 s3, s0;
	s1 =	sshll.u32 s1, $0x11  }
0xbd: {  	s0 =	sor.u32 s1, s0  }
0xbe: {  	s0 =	sadd.s32 $0x8F2B, s0  }
0xbf: {  	[sflag:s0] =	ssyncadd.remote.s32 $0x1  }
0xc0: {  	_ =	sfence.sel $0xFFFF  }
0xc1: {  	[dreg:$0x0] =	wrdreg $0xFFFFFFFF;
	(pc) =	sbr.abs _section_cstart, $3  }
0xc2: {  	[dreg:$0x1] =	wrdreg $0xFFFFFFFF  }
0xc3: {  	_ =	task.clear_ibuf [dreg:s8], $0x2FFFF;
	_ =	strace $0x9FFFFFFF  }
0xc4: {  	(tm) =	ssettm $0x7FFFFFFF  }
0xc5: {  	_ =	shalt  }
tec
execute0_lowered:
.L_overlay_start_1:
0x0: {  	(tag) =	ssettag $0x1  }
0x1: {  	s2 =	stileid.u32  }
0x2: {  	p0 =	sgt.u32 s2, $0x1  }
.Ltmp0:
0x3: {  	s1 =	rddreg [dreg:$0x0];
	(pc) =	sbr.rel @p0 .LBB2_35-.Ltmp0, $4  }
0x4: {  	s4 =	rddreg [dreg:$0x1]  }
0x5: {  	s13 =	rddreg [dreg:$0x2];
	s3 =	simm.s32 $0x0  }
0x6: {  	[smem:$0x7FF] =	sst s3  }
0x7: {  	s0 =	rddreg [dreg:$0x3];
	_ =	strace $0x80000047  }
0x8: {  	s5 =	srdreg.scid  }
0x9: {  	s16 =	sadd.s32 $0x400, s4;
	s14 =	sand.u32 $0x1, s5  }
0xa: {  	s19 =	simm.s32 $0x2;
	s20 =	simm.s32 $0x1;
	s5 =	sshll.u32 s14, $0x1  }
0xb: {  	s21 =	simm.s32 $0x200;
	s14 =	ssub.s32 $0x2, s14;
	s15 =	sadd.s32 s2, s5  }
0xc: {  	s22 =	simm.s32 $0x0;
	s30 =	sshrl.u32 s14, $0x1;
	s17 =	sshll.u32 s15, $0xA  }
0xd: {  	s12 =	sshll.u32 s15, $0x17;
	s18 =	sshll.u32 s15, $0x4;
	s15 =	sshll.u32 s15, $0x14  }
0xe: {  	s4 =	sadd.s32 s16, s17;
	s13 =	sadd.s32 s13, s18;
	s18 =	ssub.s32 s14, s30  }
.Ltmp1:
0xf: {  	s31 =	sadd.s32 s17, s16;
	s15 =	sadd.s32 s15, s1;
	(pc) =	sbr.rel .LBB2_2-.Ltmp1, $4  }
0x10: {  	s17 =	simm.s32 $0x80;
	s5 =	sadd.s32 $0x380, s4;
	s6 =	sadd.s32 $0x300, s4  }
0x11: {  	s7 =	sadd.s32 $0x280, s4;
	s8 =	sadd.s32 $0x200, s4;
	s9 =	sadd.s32 $0x180, s4  }
0x12: {  	v0 =	vlaneseq.u32;
	s10 =	sadd.s32 $0x100, s4;
	s11 =	sadd.s32 $0x80, s4;
	s14 =	sadd.s32 $0x3FE, s31  }
0x13: {  	v0 =	vor.u32 $0x80000000, v0;
	s15 =	sadd.s32 $0xFFC70, s15;
	s16 =	smax.u32 s18, $0x1;
	s18 =	simm.s32 $0x400  }
.LBB2_6:
0x14: {  	s23 =	sadd.s32 s24, s25  }
0x15: {  	s23 =	sadd.s32 $0x10, s23  }
.LBB2_34:
0x16: {  	p0 =	seq.s32 s23, $0x1FFF  }
0x17: {  	p1 =	sgt.s32 @!p0 s23, $0x0  }
0x18: {  	p1 =	por !p1, p0  }
0x19: {  	s23 =	simm.s32 @p1 $0x0  }
0x1a: {  	s24 =	sshll.u32 @!p0 s23, $0xA  }
0x1b: {  	s23 =	sshll.u32 @!p0 s23, $0x7;
	s24 =	sadd.s32 @!p0 s12, s24  }
0x1c: {  	s23 =	sand.u32 @!p0 $0x380, s23;
	s24 =	sand.u32 @!p0 $0xFFFFE000, s24  }
0x1d: {  	_ =	swait.ge [sflag:s20], $0x400;
	s23 =	sor.u32 @!p0 s23, s24  }
0x1e: {  	[sflag:s20] =	ssyncset.done $0x0;
	s25 =	simm.s32 @!p0 $0x400;
	s23 =	sshrl.u32 @!p0 s23, $0x3  }
0x1f: {  	[sflag:s20] =	ssyncadd.s32 $0xFFFFFC00;
	s24 =	simm.s32 @!p0 $0x80;
	s23 =	sadd.s32 @!p0 s1, s23  }
0x20: {  	[tilespmem:s25], [sflag:$0x2] =	stream.strided.gather @!p0 [hbm4b:s23+s24], $0x400, s25, s24, $0x38;
	[tilespmem:$0x800] =	vst v63  }
0x21: {  	s23 =	simm.s32 @!p0 $0x2  }
0x22: {  	_ =	swait.ge @!p0 [sflag:s23], $0x400  }
0x23: {  	s22 =	sadd.s32 $0x1, s22;
	[sflag:s23] =	ssyncset.done @!p0 $0x0  }
0x24: {  	[sflag:s23] =	ssyncadd.s32 @!p0 $0xFFFFFC00;
	p0 =	sne.s32 s22, s16  }
.Ltmp2:
0x25: {  	_ = 	snop;
	(pc) =	sbr.rel @!p0 .LBB2_35-.Ltmp2, $4  }
0x26: {  	[hbm4b:s13+s17] =	stream.strided.scatter [tilespmem:s18], [sflag:$0x2], $0x400, s21, s17, $0x38;
	[tilespmem:$0x800] =	vst v63  }
0x27: {  	_ =	swait.ge [sflag:s19], $0x400  }
0x28: {  	[sflag:s19] =	ssyncset.done $0x0  }
0x29: {  	[sflag:s19] =	ssyncadd.s32 $0xFFFFFC00  }
.LBB2_2:
0x2a: {  	[tilespmem:s18], [sflag:$0x1] =	stream.strided.gather [hbm4b:s15+s17], $0x400, s18, s17, $0x38;
	[tilespmem:$0x800] =	vst v63  }
0x2b: {  	_ = 	snop  }
0x2c: {  	[tilespmem:s3], [sflag:$0x2] =	stream.linear.gather [hbm4b:s14+s3], $0x10, $0x38;
	[tilespmem:$0x800] =	vst v63  }
0x2d: {  	_ =	swait.ge [sflag:s19], $0x10  }
0x2e: {  	[sflag:s19] =	ssyncset.done $0x0  }
0x2f: {  	[sflag:s19] =	ssyncadd.s32 $0xFFFFFFF0  }
0x30: {  	v1 =	vld [tilespmem:$0x0];
	_ =	sdelay $0x4  }
0x31: {  	vm0 =	veq.s32 v1, $0x1  }
0x32: {  	v1 =	vnsel vm0, $0x7FFFFFFF, v0  }
0x33: {  	(xrf0) =	vmax.scan.msk.u32 $0xffff, v1;
	_ =	sdelay $0x5  }
0x34: {  	v1, _, _ =	vpop (xrf0)  }
0x35: {  	(v2sf) =	vpush v1, $0xF;
	_ =	sdelay $0xe  }
0x36: {  	s24 =	spop (v2sf)  }
0x37: {  	s23 =	sadd.s32 $0x80001FF0, s24  }
0x38: {  	p0 =	sgt.s32 s24, $0xFFFFFFFF;
	s24 =	smov.u32 s23  }
0x39: {  	s24 =	simm.s32 @p0 $0xFFFFFFFF  }
0x3a: {  	p0 =	sgt.s32 s24, $0xFFFFFFFF  }
.Ltmp3:
0x3b: {  	_ = 	snop;
	(pc) =	sbr.rel @p0 .LBB2_34-.Ltmp3, $2  }
0x3c: {  	_ =	sdelay $0x2  }
0x3d: {  	[smem:$0x0] =	sst s24  }
0x3e: {  	[tilespmem:s3], [sflag:$0x2] =	stream.linear.gather [hbm4b:s5+s3], $0x400, $0x38;
	[tilespmem:$0x800] =	vst v63  }
0x3f: {  	_ =	swait.ge [sflag:s19], $0x400  }
0x40: {  	[sflag:s19] =	ssyncset.done $0x0  }
0x41: {  	s24 =	simm.s32 $0x80001FF0;
	s23 =	simm.s32 $0x3F0;
	[sflag:s19] =	ssyncadd.s32 $0xFFFFFC00  }
.LBB2_4:
0x42: {  	v1 =	vld [tilespmem:s23+$0x0];
	_ =	sdelay $0x4  }
0x43: {  	vm0 =	veq.s32 v1, $0x1  }
0x44: {  	v1 =	vnsel vm0, $0x7FFFFFFF, v0  }
0x45: {  	(xrf0) =	vmax.scan.msk.u32 $0xffff, v1;
	_ =	sdelay $0x5  }
0x46: {  	v1, _, _ =	vpop (xrf0)  }
0x47: {  	(v2sf) =	vpush v1, $0xF;
	_ =	sdelay $0xe  }
0x48: {  	s25 =	spop (v2sf)  }
0x49: {  	s26 =	sadd.s32 s24, s25;
	p0 =	sgt.s32 s25, $0xFFFFFFFF  }
0x4a: {  	s26 =	simm.s32 @p0 $0xFFFFFFFF  }
0x4b: {  	p0 =	sgt.s32 s26, $0xFFFFFFFF  }
0x4c: {  	p1 =	sne.s32 @!p0 s24, $0x80001C00  }
0x4d: {  	p1 =	por p0, !p1  }
.Ltmp4:
0x4e: {  	_ = 	snop;
	(pc) =	sbr.rel @!p1 .LBB2_4-.Ltmp4, $2  }
0x4f: {  	_ =	sdelay $0x2  }
0x50: {  	s23 =	sadd.s32 $0xFFFFFFF0, s23;
	s24 =	sadd.s32 $0xFFFFFFF0, s24  }
.Ltmp5:
0x51: {  	(pc) =	sbr.rel @p0 .LBB2_6-.Ltmp5, $2  }
0x52: {  	_ =	sdelay $0x2  }
0x53: {  	[smem:$0x0] =	sst s26  }
0x54: {  	[tilespmem:s3], [sflag:$0x2] =	stream.linear.gather [hbm4b:s6+s3], $0x400, $0x38;
	[tilespmem:$0x800] =	vst v63  }
0x55: {  	_ =	swait.ge [sflag:s19], $0x400  }
0x56: {  	[sflag:s19] =	ssyncset.done $0x0  }
0x57: {  	s24 =	simm.s32 $0x80001BF0;
	s23 =	simm.s32 $0x3F0;
	[sflag:s19] =	ssyncadd.s32 $0xFFFFFC00  }
.LBB2_8:
0x58: {  	v1 =	vld [tilespmem:s23+$0x0];
	_ =	sdelay $0x4  }
0x59: {  	vm0 =	veq.s32 v1, $0x1  }
0x5a: {  	v1 =	vnsel vm0, $0x7FFFFFFF, v0  }
0x5b: {  	(xrf0) =	vmax.scan.msk.u32 $0xffff, v1;
	_ =	sdelay $0x5  }
0x5c: {  	v1, _, _ =	vpop (xrf0)  }
0x5d: {  	(v2sf) =	vpush v1, $0xF;
	_ =	sdelay $0xe  }
0x5e: {  	s25 =	spop (v2sf)  }
0x5f: {  	s26 =	sadd.s32 s24, s25;
	p0 =	sgt.s32 s25, $0xFFFFFFFF  }
0x60: {  	s26 =	simm.s32 @p0 $0xFFFFFFFF  }
0x61: {  	p0 =	sgt.s32 s26, $0xFFFFFFFF  }
0x62: {  	p1 =	sne.s32 @!p0 s24, $0x80001800  }
0x63: {  	p1 =	por p0, !p1  }
.Ltmp6:
0x64: {  	_ = 	snop;
	(pc) =	sbr.rel @!p1 .LBB2_8-.Ltmp6, $2  }
0x65: {  	_ =	sdelay $0x2  }
0x66: {  	s23 =	sadd.s32 $0xFFFFFFF0, s23;
	s24 =	sadd.s32 $0xFFFFFFF0, s24  }
.Ltmp7:
0x67: {  	(pc) =	sbr.rel @!p0 .LBB2_11-.Ltmp7, $2  }
0x68: {  	_ =	sdelay $0x2  }
0x69: {  	[smem:$0x0] =	sst s26  }
.Ltmp8:
0x6a: {  	(pc) =	sbr.rel .LBB2_34-.Ltmp8, $3  }
0x6b: {  	_ =	sdelay $0x1  }
0x6c: {  	s23 =	sadd.s32 s24, s25  }
0x6d: {  	s23 =	sadd.s32 $0x10, s23  }
.LBB2_11:
0x6e: {  	[tilespmem:s3], [sflag:$0x2] =	stream.linear.gather [hbm4b:s7+s3], $0x400, $0x38;
	[tilespmem:$0x800] =	vst v63  }
0x6f: {  	_ =	swait.ge [sflag:s19], $0x400  }
0x70: {  	[sflag:s19] =	ssyncset.done $0x0  }
0x71: {  	s24 =	simm.s32 $0x800017F0;
	s23 =	simm.s32 $0x3F0;
	[sflag:s19] =	ssyncadd.s32 $0xFFFFFC00  }
.LBB2_12:
0x72: {  	v1 =	vld [tilespmem:s23+$0x0];
	_ =	sdelay $0x4  }
0x73: {  	vm0 =	veq.s32 v1, $0x1  }
0x74: {  	v1 =	vnsel vm0, $0x7FFFFFFF, v0  }
0x75: {  	(xrf0) =	vmax.scan.msk.u32 $0xffff, v1;
	_ =	sdelay $0x5  }
0x76: {  	v1, _, _ =	vpop (xrf0)  }
0x77: {  	(v2sf) =	vpush v1, $0xF;
	_ =	sdelay $0xe  }
0x78: {  	s25 =	spop (v2sf)  }
0x79: {  	s26 =	sadd.s32 s24, s25;
	p0 =	sgt.s32 s25, $0xFFFFFFFF  }
0x7a: {  	s26 =	simm.s32 @p0 $0xFFFFFFFF  }
0x7b: {  	p0 =	sgt.s32 s26, $0xFFFFFFFF  }
0x7c: {  	p1 =	sne.s32 @!p0 s24, $0x80001400  }
0x7d: {  	p1 =	por p0, !p1  }
.Ltmp9:
0x7e: {  	_ = 	snop;
	(pc) =	sbr.rel @!p1 .LBB2_12-.Ltmp9, $2  }
0x7f: {  	_ =	sdelay $0x2  }
0x80: {  	s23 =	sadd.s32 $0xFFFFFFF0, s23;
	s24 =	sadd.s32 $0xFFFFFFF0, s24  }
.Ltmp10:
0x81: {  	(pc) =	sbr.rel @!p0 .LBB2_15-.Ltmp10, $2  }
0x82: {  	_ =	sdelay $0x2  }
0x83: {  	[smem:$0x0] =	sst s26  }
.Ltmp11:
0x84: {  	(pc) =	sbr.rel .LBB2_34-.Ltmp11, $3  }
0x85: {  	_ =	sdelay $0x1  }
0x86: {  	s23 =	sadd.s32 s24, s25  }
0x87: {  	s23 =	sadd.s32 $0x10, s23  }
.LBB2_15:
0x88: {  	[tilespmem:s3], [sflag:$0x2] =	stream.linear.gather [hbm4b:s8+s3], $0x400, $0x38;
	[tilespmem:$0x800] =	vst v63  }
0x89: {  	_ =	swait.ge [sflag:s19], $0x400  }
0x8a: {  	[sflag:s19] =	ssyncset.done $0x0  }
0x8b: {  	s24 =	simm.s32 $0x800013F0;
	s23 =	simm.s32 $0x3F0;
	[sflag:s19] =	ssyncadd.s32 $0xFFFFFC00  }
.LBB2_16:
0x8c: {  	v1 =	vld [tilespmem:s23+$0x0];
	_ =	sdelay $0x4  }
0x8d: {  	vm0 =	veq.s32 v1, $0x1  }
0x8e: {  	v1 =	vnsel vm0, $0x7FFFFFFF, v0  }
0x8f: {  	(xrf0) =	vmax.scan.msk.u32 $0xffff, v1;
	_ =	sdelay $0x5  }
0x90: {  	v1, _, _ =	vpop (xrf0)  }
0x91: {  	(v2sf) =	vpush v1, $0xF;
	_ =	sdelay $0xe  }
0x92: {  	s25 =	spop (v2sf)  }
0x93: {  	s26 =	sadd.s32 s24, s25;
	p0 =	sgt.s32 s25, $0xFFFFFFFF  }
0x94: {  	s26 =	simm.s32 @p0 $0xFFFFFFFF  }
0x95: {  	p0 =	sgt.s32 s26, $0xFFFFFFFF  }
0x96: {  	p1 =	sne.s32 @!p0 s24, $0x80001000  }
0x97: {  	p1 =	por p0, !p1  }
.Ltmp12:
0x98: {  	_ = 	snop;
	(pc) =	sbr.rel @!p1 .LBB2_16-.Ltmp12, $2  }
0x99: {  	_ =	sdelay $0x2  }
0x9a: {  	s23 =	sadd.s32 $0xFFFFFFF0, s23;
	s24 =	sadd.s32 $0xFFFFFFF0, s24  }
.Ltmp13:
0x9b: {  	(pc) =	sbr.rel @!p0 .LBB2_19-.Ltmp13, $2  }
0x9c: {  	_ =	sdelay $0x2  }
0x9d: {  	[smem:$0x0] =	sst s26  }
.Ltmp14:
0x9e: {  	(pc) =	sbr.rel .LBB2_34-.Ltmp14, $3  }
0x9f: {  	_ =	sdelay $0x1  }
0xa0: {  	s23 =	sadd.s32 s24, s25  }
0xa1: {  	s23 =	sadd.s32 $0x10, s23  }
.LBB2_19:
0xa2: {  	[tilespmem:s3], [sflag:$0x2] =	stream.linear.gather [hbm4b:s9+s3], $0x400, $0x38;
	[tilespmem:$0x800] =	vst v63  }
0xa3: {  	_ =	swait.ge [sflag:s19], $0x400  }
0xa4: {  	[sflag:s19] =	ssyncset.done $0x0  }
0xa5: {  	s24 =	simm.s32 $0x80000FF0;
	s23 =	simm.s32 $0x3F0;
	[sflag:s19] =	ssyncadd.s32 $0xFFFFFC00  }
.LBB2_20:
0xa6: {  	v1 =	vld [tilespmem:s23+$0x0];
	_ =	sdelay $0x4  }
0xa7: {  	vm0 =	veq.s32 v1, $0x1  }
0xa8: {  	v1 =	vnsel vm0, $0x7FFFFFFF, v0  }
0xa9: {  	(xrf0) =	vmax.scan.msk.u32 $0xffff, v1;
	_ =	sdelay $0x5  }
0xaa: {  	v1, _, _ =	vpop (xrf0)  }
0xab: {  	(v2sf) =	vpush v1, $0xF;
	_ =	sdelay $0xe  }
0xac: {  	s25 =	spop (v2sf)  }
0xad: {  	s26 =	sadd.s32 s24, s25;
	p0 =	sgt.s32 s25, $0xFFFFFFFF  }
0xae: {  	s26 =	simm.s32 @p0 $0xFFFFFFFF  }
0xaf: {  	p0 =	sgt.s32 s26, $0xFFFFFFFF  }
0xb0: {  	p1 =	sne.s32 @!p0 s24, $0x80000C00  }
0xb1: {  	p1 =	por p0, !p1  }
.Ltmp15:
0xb2: {  	_ = 	snop;
	(pc) =	sbr.rel @!p1 .LBB2_20-.Ltmp15, $2  }
0xb3: {  	_ =	sdelay $0x2  }
0xb4: {  	s23 =	sadd.s32 $0xFFFFFFF0, s23;
	s24 =	sadd.s32 $0xFFFFFFF0, s24  }
.Ltmp16:
0xb5: {  	(pc) =	sbr.rel @!p0 .LBB2_23-.Ltmp16, $2  }
0xb6: {  	_ =	sdelay $0x2  }
0xb7: {  	[smem:$0x0] =	sst s26  }
.Ltmp17:
0xb8: {  	(pc) =	sbr.rel .LBB2_34-.Ltmp17, $3  }
0xb9: {  	_ =	sdelay $0x1  }
0xba: {  	s23 =	sadd.s32 s24, s25  }
0xbb: {  	s23 =	sadd.s32 $0x10, s23  }
.LBB2_23:
0xbc: {  	[tilespmem:s3], [sflag:$0x2] =	stream.linear.gather [hbm4b:s10+s3], $0x400, $0x38;
	[tilespmem:$0x800] =	vst v63  }
0xbd: {  	_ =	swait.ge [sflag:s19], $0x400  }
0xbe: {  	[sflag:s19] =	ssyncset.done $0x0  }
0xbf: {  	s24 =	simm.s32 $0x80000BF0;
	s23 =	simm.s32 $0x3F0;
	[sflag:s19] =	ssyncadd.s32 $0xFFFFFC00  }
.LBB2_24:
0xc0: {  	v1 =	vld [tilespmem:s23+$0x0];
	_ =	sdelay $0x4  }
0xc1: {  	vm0 =	veq.s32 v1, $0x1  }
0xc2: {  	v1 =	vnsel vm0, $0x7FFFFFFF, v0  }
0xc3: {  	(xrf0) =	vmax.scan.msk.u32 $0xffff, v1;
	_ =	sdelay $0x5  }
0xc4: {  	v1, _, _ =	vpop (xrf0)  }
0xc5: {  	(v2sf) =	vpush v1, $0xF;
	_ =	sdelay $0xe  }
0xc6: {  	s25 =	spop (v2sf)  }
0xc7: {  	s26 =	sadd.s32 s24, s25;
	p0 =	sgt.s32 s25, $0xFFFFFFFF  }
0xc8: {  	s26 =	simm.s32 @p0 $0xFFFFFFFF  }
0xc9: {  	p0 =	sgt.s32 s26, $0xFFFFFFFF  }
0xca: {  	p1 =	sne.s32 @!p0 s24, $0x80000800  }
0xcb: {  	p1 =	por p0, !p1  }
.Ltmp18:
0xcc: {  	_ = 	snop;
	(pc) =	sbr.rel @!p1 .LBB2_24-.Ltmp18, $2  }
0xcd: {  	_ =	sdelay $0x2  }
0xce: {  	s23 =	sadd.s32 $0xFFFFFFF0, s23;
	s24 =	sadd.s32 $0xFFFFFFF0, s24  }
.Ltmp19:
0xcf: {  	(pc) =	sbr.rel @!p0 .LBB2_27-.Ltmp19, $2  }
0xd0: {  	_ =	sdelay $0x2  }
0xd1: {  	[smem:$0x0] =	sst s26  }
.Ltmp20:
0xd2: {  	(pc) =	sbr.rel .LBB2_34-.Ltmp20, $3  }
0xd3: {  	_ =	sdelay $0x1  }
0xd4: {  	s23 =	sadd.s32 s24, s25  }
0xd5: {  	s23 =	sadd.s32 $0x10, s23  }
.LBB2_27:
0xd6: {  	[tilespmem:s3], [sflag:$0x2] =	stream.linear.gather [hbm4b:s11+s3], $0x400, $0x38;
	[tilespmem:$0x800] =	vst v63  }
0xd7: {  	_ =	swait.ge [sflag:s19], $0x400  }
0xd8: {  	[sflag:s19] =	ssyncset.done $0x0  }
0xd9: {  	s24 =	simm.s32 $0x800007F0;
	s23 =	simm.s32 $0x3F0;
	[sflag:s19] =	ssyncadd.s32 $0xFFFFFC00  }
.LBB2_28:
0xda: {  	v1 =	vld [tilespmem:s23+$0x0];
	_ =	sdelay $0x4  }
0xdb: {  	vm0 =	veq.s32 v1, $0x1  }
0xdc: {  	v1 =	vnsel vm0, $0x7FFFFFFF, v0  }
0xdd: {  	(xrf0) =	vmax.scan.msk.u32 $0xffff, v1;
	_ =	sdelay $0x5  }
0xde: {  	v1, _, _ =	vpop (xrf0)  }
0xdf: {  	(v2sf) =	vpush v1, $0xF;
	_ =	sdelay $0xe  }
0xe0: {  	s25 =	spop (v2sf)  }
0xe1: {  	s26 =	sadd.s32 s24, s25;
	p0 =	sgt.s32 s25, $0xFFFFFFFF  }
0xe2: {  	s26 =	simm.s32 @p0 $0xFFFFFFFF  }
0xe3: {  	p0 =	sgt.s32 s26, $0xFFFFFFFF  }
0xe4: {  	p1 =	sne.s32 @!p0 s24, $0x80000400  }
0xe5: {  	p1 =	por p0, !p1  }
.Ltmp21:
0xe6: {  	_ = 	snop;
	(pc) =	sbr.rel @!p1 .LBB2_28-.Ltmp21, $2  }
0xe7: {  	_ =	sdelay $0x2  }
0xe8: {  	s23 =	sadd.s32 $0xFFFFFFF0, s23;
	s24 =	sadd.s32 $0xFFFFFFF0, s24  }
.Ltmp22:
0xe9: {  	(pc) =	sbr.rel @!p0 .LBB2_31-.Ltmp22, $2  }
0xea: {  	_ =	sdelay $0x2  }
0xeb: {  	[smem:$0x0] =	sst s26  }
.Ltmp23:
0xec: {  	(pc) =	sbr.rel .LBB2_34-.Ltmp23, $3  }
0xed: {  	_ =	sdelay $0x1  }
0xee: {  	s23 =	sadd.s32 s24, s25  }
0xef: {  	s23 =	sadd.s32 $0x10, s23  }
.LBB2_31:
0xf0: {  	[tilespmem:s3], [sflag:$0x2] =	stream.linear.gather [hbm4b:s4+s3], $0x400, $0x38;
	[tilespmem:$0x800] =	vst v63  }
0xf1: {  	_ =	swait.ge [sflag:s19], $0x400  }
0xf2: {  	[sflag:s19] =	ssyncset.done $0x0  }
0xf3: {  	s25 =	simm.s32 $0x800003F0;
	s24 =	simm.s32 $0x3F0;
	[sflag:s19] =	ssyncadd.s32 $0xFFFFFC00  }
.LBB2_32:
0xf4: {  	v1 =	vld [tilespmem:s24+$0x0];
	_ =	sdelay $0x4  }
0xf5: {  	vm0 =	veq.s32 v1, $0x1  }
0xf6: {  	v1 =	vnsel vm0, $0x7FFFFFFF, v0  }
0xf7: {  	(xrf0) =	vmax.scan.msk.u32 $0xffff, v1;
	_ =	sdelay $0x5  }
0xf8: {  	v1, _, _ =	vpop (xrf0)  }
0xf9: {  	(v2sf) =	vpush v1, $0xF;
	_ =	sdelay $0xe  }
0xfa: {  	s26 =	spop (v2sf)  }
0xfb: {  	s23 =	sadd.s32 s25, s26;
	p0 =	sgt.s32 s26, $0xFFFFFFFF  }
0xfc: {  	s23 =	simm.s32 @p0 $0xFFFFFFFF  }
0xfd: {  	p0 =	sgt.s32 s23, $0xFFFFFFFF  }
0xfe: {  	p1 =	sne.s32 @!p0 s25, $0x80000000  }
0xff: {  	p0 =	por p0, !p1  }
.Ltmp24:
0x100: {  	_ = 	snop;
	(pc) =	sbr.rel @!p0 .LBB2_32-.Ltmp24, $2  }
0x101: {  	_ =	sdelay $0x2  }
0x102: {  	s24 =	sadd.s32 $0xFFFFFFF0, s24;
	s25 =	sadd.s32 $0xFFFFFFF0, s25  }
.Ltmp25:
0x103: {  	(pc) =	sbr.rel .LBB2_34-.Ltmp25, $2  }
0x104: {  	_ =	sdelay $0x2  }
0x105: {  	[smem:$0x0] =	sst s23  }
.LBB2_35:
0x106: {  	_ =	sfence.sel $0x180000  }
0x107: {  	[bflag:$0x0] =	sbarrier.arrive $0xFFFF  }
0x108: {  	p0 =	sne.s32 s2, $0x0;
	_ =	strace $0x90000047  }
0x109: {  	s0 =	sadd.s32 @!p0 $0x100000, s0;
	[bflag:$0x2] =	sbarrier.arrive $0xFFFF  }
0x10a: {  	[sflag:s0] =	ssyncadd.tile.s32 @!p0 $0x1;
	_ =	shalt  }
.Lfunc_end2:
_tile_overlayer_lowered:
.L_overlay_start_2:
0x10b: {  	(tag) =	ssettag $0x2  }
0x10c: {  	s0 =	rddreg [dreg:$0x0];
	s2 =	stileid.u32  }
0x10d: {  	s1 =	rddreg [dreg:$0x1];
	p0 =	sne.s32 s2, $0x0  }
0x10e: {  	s3 =	rddreg [dreg:$0x2];
	[bflag:$0x3] =	sbarrier.arrive $0xFFFF;
	s2 =	simm.s32 @!p0 $0x1C02  }
0x10f: {  	[timem:s3], [sflag:s2] =	dma.local @!p0 [hbm:s0], s1  }
0x110: {  	s0 =	simm.s32 @!p0 $0x2  }
0x111: {  	_ =	swait.ge @!p0 [sflag:s0], s1  }
0x112: {  	s1 =	ssub.s32 @!p0 $0x0, s1;
	[sflag:s0] =	ssyncset.done @!p0 $0x0  }
0x113: {  	[sflag:s0] =	ssyncadd.s32 @!p0 s1  }
0x114: {  	[bflag:$0x3] =	sbarrier.arrive $0xFFFF  }
0x115: {  	_ =	shalt  }

</sc_bundles>
